<compile_context>
chip_gen: v7x
topology: tpu7x:2x2x1
jax: 0.10.2.dev20260603
libtpu: 0.0.44.dev20260713+nightly
codegen_flags: <defaults>
</compile_context>

<pallas_src>
import functools

import jax
import jax.numpy as jnp
from jax import lax
from jax.experimental import pallas as pl
from jax.experimental.pallas import tpu as pltpu
from jax.experimental.pallas import tpu_sc as plsc

_E = 320000
_N = 10000
_HEADS = 8
_DH = 16
_OUT = 128

_BE = 1280
_WD = 144
_NH = 5120
_DUM = 128
_ACC = _NH + _DUM
_RPT = _ACC // 16
_BS = 80
_CHUNK = _E // 16
_NB = _CHUNK // _BS


def _expander():
    hj = lax.broadcasted_iota(jnp.int32, (_HEADS, _OUT), 0)
    jj = lax.broadcasted_iota(jnp.int32, (_HEADS, _OUT), 1)
    return jnp.where(jj // _DH == hj, 1.0, 0.0).astype(jnp.float32)


def _dense_body(xs_ref, xd_ref, ea_ref, q_ref,
                kW1_ref, kb1_ref, kW2_ref, kb2_ref, kWp_ref, kbp_ref,
                vW1_ref, vb1_ref, vW2_ref, vb2_ref, vWp_ref, vbp_ref,
                w_ref, sbig_ref):
    xs = xs_ref[...]
    xd = xd_ref[...]
    ea = ea_ref[...]

    def mm3(Wref):
        W = Wref[...]
        return (jnp.dot(xs, W[0:128], preferred_element_type=jnp.float32)
                + jnp.dot(xd, W[128:256], preferred_element_type=jnp.float32)
                + jnp.dot(ea, W[256:272], preferred_element_type=jnp.float32))

    h1k = jnp.maximum(mm3(kW1_ref) + kb1_ref[...], 0.0)
    kk = (jnp.dot(h1k, kW2_ref[...], preferred_element_type=jnp.float32)
          + kb2_ref[...] + mm3(kWp_ref) + kbp_ref[...])
    h1v = jnp.maximum(mm3(vW1_ref) + vb1_ref[...], 0.0)
    vv = (jnp.dot(h1v, vW2_ref[...], preferred_element_type=jnp.float32)
          + vb2_ref[...] + mm3(vWp_ref) + vbp_ref[...])

    t = kk * (q_ref[...] * 0.25)
    ji = lax.broadcasted_iota(jnp.int32, (_OUT, _HEADS), 0)
    hi = lax.broadcasted_iota(jnp.int32, (_OUT, _HEADS), 1)
    rsum = jnp.where(ji // _DH == hi, 1.0, 0.0).astype(jnp.float32)
    scores = jnp.dot(t, rsum, preferred_element_type=jnp.float32)
    sexp = jnp.exp(scores)
    sbig = jnp.dot(sexp, _expander(), preferred_element_type=jnp.float32)
    w_ref[...] = sbig * vv
    sbig_ref[...] = sbig


def _dense_call(xs, xd, ea, q, kW1, kb1, kW2, kb2, kWp, kbp,
                vW1, vb1, vW2, vb2, vWp, vbp):
    grid = (_E // _BE,)
    full = lambda shape: pl.BlockSpec(shape, lambda i: (0, 0))
    return pl.pallas_call(
        _dense_body,
        grid=grid,
        in_specs=[
            pl.BlockSpec((_BE, 128), lambda i: (i, 0)),
            pl.BlockSpec((_BE, 128), lambda i: (i, 0)),
            pl.BlockSpec((_BE, 16), lambda i: (i, 0)),
            full((1, 128)),
            full((272, 128)), full((1, 128)), full((128, 128)), full((1, 128)),
            full((272, 128)), full((1, 128)),
            full((272, 128)), full((1, 128)), full((128, 128)), full((1, 128)),
            full((272, 128)), full((1, 128)),
        ],
        out_specs=[
            pl.BlockSpec((_BE, 128), lambda i: (i, 0)),
            pl.BlockSpec((_BE, 128), lambda i: (i, 0)),
        ],
        out_shape=[
            jax.ShapeDtypeStruct((_E, 128), jnp.float32),
            jax.ShapeDtypeStruct((_E, 128), jnp.float32),
        ],
    )(xs, xd, ea, q, kW1, kb1, kW2, kb2, kWp, kbp,
      vW1, vb1, vW2, vb2, vWp, vbp)


def _make_sc_scatter(width):
    @functools.partial(
        pl.kernel,
        out_type=[jax.ShapeDtypeStruct((2 * _ACC, width), jnp.float32)],
        mesh=plsc.VectorSubcoreMesh(core_axis_name="c", subcore_axis_name="s"),
        scratch_types=[
            pltpu.VMEM((_BS, width), jnp.float32),
            pltpu.VMEM((_NB, _BS), jnp.int32),
            pltpu.VMEM_SHARED((_ACC, width), jnp.float32),
        ],
    )
    def _sc_scatter(x_hbm, idx4_hbm, z_hbm, acc_hbm, wbuf, ibuf, sh):
        c = lax.axis_index("c")
        s = lax.axis_index("s")
        wid = c * 16 + s
        r0 = s * _RPT
        pltpu.sync_copy(z_hbm, wbuf)

        def zbody(t, carry):
            pltpu.sync_copy(wbuf, sh.at[pl.ds(r0 + t * _BS, _BS)])
            return carry

        lax.fori_loop(0, _RPT // _BS, zbody, 0)
        rt = r0 + (_RPT // _BS) * _BS
        tl = _RPT % _BS
        pltpu.sync_copy(wbuf.at[pl.ds(0, tl)], sh.at[pl.ds(rt, tl)])
        pltpu.sync_copy(idx4_hbm.at[wid], ibuf)
        plsc.subcore_barrier()

        def body(j, carry):
            e0 = s * _CHUNK + j * _BS
            pltpu.sync_copy(x_hbm.at[pl.ds(e0, _BS)], wbuf)
            pltpu.sync_copy(wbuf, sh.at[ibuf.at[j]], add=True)
            return carry

        lax.fori_loop(0, _NB, body, 0)
        plsc.subcore_barrier()

        def obody(t, carry):
            r = r0 + t * _BS
            pltpu.sync_copy(sh.at[pl.ds(r, _BS)], wbuf)
            pltpu.sync_copy(wbuf, acc_hbm.at[pl.ds(c * _ACC + r, _BS)])
            return carry

        lax.fori_loop(0, _RPT // _BS, obody, 0)
        pltpu.sync_copy(sh.at[pl.ds(rt, tl)], wbuf.at[pl.ds(0, tl)])
        pltpu.sync_copy(wbuf.at[pl.ds(0, tl)],
                        acc_hbm.at[pl.ds(c * _ACC + rt, tl)])

    return _sc_scatter


_sc_scatter_w = _make_sc_scatter(128)


def _combine_body(n_ref, d_ref, o_ref):
    o_ref[...] = n_ref[0] / (d_ref[0] + 1e-16)


def _combine_call(numer3, denom3):
    bn = 640
    nblk = _NH // bn
    return pl.pallas_call(
        _combine_body,
        grid=(2, nblk),
        in_specs=[
            pl.BlockSpec((1, bn, 128), lambda c, i: (c, i, 0)),
            pl.BlockSpec((1, bn, 128), lambda c, i: (c, i, 0)),
        ],
        out_specs=pl.BlockSpec((bn, 128), lambda c, i: (c * nblk + i, 0)),
        out_shape=jax.ShapeDtypeStruct((2 * _NH, 128), jnp.float32),
    )(numer3, denom3)


def kernel(x_src, x_dst, edge_attr, index, q,
           k_W1, k_b1, k_W2, k_b2, k_Wp, k_bp,
           v_W1, v_b1, v_W2, v_b2, v_Wp, v_bp):
    r = lambda b: b.reshape(1, 128)
    w, sbig = _dense_call(
        x_src, x_dst, edge_attr, q,
        k_W1, r(k_b1), k_W2, r(k_b2), k_Wp, r(k_bp),
        v_W1, r(v_b1), v_W2, r(v_b2), v_Wp, r(v_bp))
    dummy = _NH + (jnp.arange(_E, dtype=jnp.int32) % _DUM)
    idx_lo = jnp.where(index < _NH, index, dummy).reshape(16, _NB, _BS)
    idx_hi = jnp.where(index >= _NH, index - _NH, dummy).reshape(16, _NB, _BS)
    idx4 = jnp.concatenate([idx_lo, idx_hi], axis=0)
    z128 = jnp.zeros((_BS, 128), jnp.float32)
    numer, = _sc_scatter_w(w, idx4, z128)
    denom, = _sc_scatter_w(sbig, idx4, z128)
    out = _combine_call(numer.reshape(2, _ACC, 128),
                        denom.reshape(2, _ACC, 128))
    return out[:_N]

# --- scband reference (transcript-rebuilt; emitter-appended) ---
"""Pipeline reference for scband-attention-message-80135499809236 (READ-ONLY COPY).

The authoritative reference and input builder live on the scoring server;
editing this copy changes nothing except your own understanding.
"""

import jax, jax.numpy as jnp
import numpy as np

N_NODES = 10000
N_EDGES = 320000
SRC_DIM = 128
DST_DIM = 128
EDGE_DIM = 16
OUT_DIM = 128
HEADS = 8
IN_DIM = SRC_DIM + DST_DIM + EDGE_DIM  # 272


def _residual_block(x, W1, b1, W2, b2, Wp, bp):
    # Linear -> ReLU -> Linear, plus projected residual; last_activation=False
    h = jax.nn.relu(x @ W1 + b1)
    h = h @ W2 + b2
    res = x @ Wp + bp
    return h + res


def setup_inputs(seed: int = 0) -> dict:
    key = jax.random.key(seed)
    ks = jax.random.split(key, 16)
    x_src = jax.random.normal(ks[0], (N_EDGES, SRC_DIM), dtype=jnp.float32)
    x_dst = jax.random.normal(ks[1], (N_EDGES, DST_DIM), dtype=jnp.float32)
    edge_attr = jax.random.normal(ks[2], (N_EDGES, EDGE_DIM), dtype=jnp.float32)
    index = jnp.sort(jax.random.randint(ks[3], (N_EDGES,), 0, N_NODES, dtype=jnp.int32))
    # learned params
    q = jax.random.uniform(ks[4], (1, OUT_DIM), dtype=jnp.float32) * 0.1
    s = 0.05
    k_W1 = jax.random.normal(ks[5], (IN_DIM, OUT_DIM), dtype=jnp.float32) * s
    k_b1 = jnp.zeros((OUT_DIM,), dtype=jnp.float32)
    k_W2 = jax.random.normal(ks[6], (OUT_DIM, OUT_DIM), dtype=jnp.float32) * s
    k_b2 = jnp.zeros((OUT_DIM,), dtype=jnp.float32)
    k_Wp = jax.random.normal(ks[7], (IN_DIM, OUT_DIM), dtype=jnp.float32) * s
    k_bp = jnp.zeros((OUT_DIM,), dtype=jnp.float32)
    v_W1 = jax.random.normal(ks[8], (IN_DIM, OUT_DIM), dtype=jnp.float32) * s
    v_b1 = jnp.zeros((OUT_DIM,), dtype=jnp.float32)
    v_W2 = jax.random.normal(ks[9], (OUT_DIM, OUT_DIM), dtype=jnp.float32) * s
    v_b2 = jnp.zeros((OUT_DIM,), dtype=jnp.float32)
    v_Wp = jax.random.normal(ks[10], (IN_DIM, OUT_DIM), dtype=jnp.float32) * s
    v_bp = jnp.zeros((OUT_DIM,), dtype=jnp.float32)
    return {"x_src": x_src, "x_dst": x_dst, "edge_attr": edge_attr, "index": index,
            "q": q,
            "k_W1": k_W1, "k_b1": k_b1, "k_W2": k_W2, "k_b2": k_b2, "k_Wp": k_Wp, "k_bp": k_bp,
            "v_W1": v_W1, "v_b1": v_b1, "v_W2": v_W2, "v_b2": v_b2, "v_Wp": v_Wp, "v_bp": v_bp}


def reference(x_src, x_dst, edge_attr, index, q,
              k_W1, k_b1, k_W2, k_b2, k_Wp, k_bp,
              v_W1, v_b1, v_W2, v_b2, v_Wp, v_bp):
    # concat_features
    x = jnp.concatenate([x_src, x_dst, edge_attr], axis=-1)  # [E, IN_DIM]
    k = _residual_block(x, k_W1, k_b1, k_W2, k_b2, k_Wp, k_bp)  # [E, OUT_DIM]
    v = _residual_block(x, v_W1, v_b1, v_W2, v_b2, v_Wp, v_bp)  # [E, OUT_DIM]
    # neighborhood attention with global query q, grouped by dst node index
    dh = OUT_DIM // HEADS
    qh = q.reshape(HEADS, dh)
    kh = k.reshape(-1, HEADS, dh)
    vh = v.reshape(-1, HEADS, dh)
    scores = jnp.einsum('hd,ehd->eh', qh, kh) / jnp.sqrt(jnp.float32(dh))  # [E, H]
    seg_max = jax.ops.segment_max(scores, index, num_segments=N_NODES)  # [N, H]
    seg_max = jax.lax.stop_gradient(jnp.where(jnp.isfinite(seg_max), seg_max, 0.0))
    exp_s = jnp.exp(scores - seg_max[index])  # [E, H]
    denom = jax.ops.segment_sum(exp_s, index, num_segments=N_NODES)  # [N, H]
    alpha = exp_s / (denom[index] + 1e-16)  # [E, H]
    out = jax.ops.segment_sum(alpha[:, :, None] * vh, index, num_segments=N_NODES)  # [N, H, dh]
    return out.reshape(N_NODES, OUT_DIM)

if __name__ == "__main__":
    import jax
    _d = setup_inputs()
    print(jax.jit(kernel)(*tuple(_d.values())))

</pallas_src>

<mosaic_0001>
#map = affine_map<(d0, d1) -> (0, 0)>
#map1 = affine_map<(d0, d1) -> (0, 0, 0)>
module attributes {stable_mosaic.version = 14 : i64} {
  func.func @_sc_scatter(%arg0: i32, %arg1: i32, %arg2: memref<320000x128xf32, #tpu.memory_space<hbm>>, %arg3: memref<32x250x80xi32, #tpu.memory_space<hbm>>, %arg4: memref<80x128xf32, #tpu.memory_space<hbm>>, %arg5: memref<10496x128xf32, #tpu.memory_space<hbm>>, %arg6: memref<80x128xf32, #tpu.memory_space<vmem>>, %arg7: memref<250x80xi32, #tpu.memory_space<vmem>>, %arg8: memref<5248x128xf32, #tpu.memory_space<vmem_shared>>) attributes {dimension_semantics = [#tpu.dimension_semantics<core_parallel>, #tpu.dimension_semantics<subcore_parallel>], iteration_bounds = array<i64: 2, 16>, scalar_prefetch = 0 : i64, scratch_operands = 3 : i64, tpu.core_type = #tpu.core_type<sc_vector_subcore>, window_params = [{transform_indices = #map}, {transform_indices = #map1}, {transform_indices = #map}, {transform_indices = #map}]} {
    %mul3A = arith.constant 16 : i32
    %mul3A_0 = arith.muli %arg0, %mul3A : i32
    %add3A = arith.addi %mul3A_0, %arg1 : i32
    %mul3A_1 = arith.constant 328 : i32
    %mul3A_2 = arith.muli %arg1, %mul3A_1 : i32
    "tpu.region"() ({
      %run_scoped3A = tpu.sem_alloc : memref<!tpu.dma_semaphore, #tpu.memory_space<semaphore_mem>>
      tpu.enqueue_dma source(%arg4 : memref<80x128xf32, #tpu.memory_space<hbm>>) target(%arg6 : memref<80x128xf32, #tpu.memory_space<vmem>>) target_semaphore(%run_scoped3A : memref<!tpu.dma_semaphore, #tpu.memory_space<semaphore_mem>>)
      tpu.wait_dma2 semaphore(%run_scoped3A : memref<!tpu.dma_semaphore, #tpu.memory_space<semaphore_mem>>) src(%arg4 : memref<80x128xf32, #tpu.memory_space<hbm>>) dst(%arg6 : memref<80x128xf32, #tpu.memory_space<vmem>>)
      tpu.yield
    }) : () -> ()
    %scan3A = arith.constant 0 : i32
    %scan3A_3 = arith.constant 0 : i32
    %scan3A_4 = arith.constant 4 : i32
    %scan3A_5 = arith.addi %scan3A_3, %scan3A_4 : i32
    %scan3A_6 = arith.constant 1 : i32
    scf.for %scan3A_26 = %scan3A_3 to %scan3A_5 step %scan3A_6  : i32 {
      %mul3A_27 = arith.constant 80 : i32
      %mul3A_28 = arith.muli %scan3A_26, %mul3A_27 : i32
      %add3A_29 = arith.addi %mul3A_2, %mul3A_28 : i32
      "tpu.region"() ({
        %run_scoped3A = tpu.sem_alloc : memref<!tpu.dma_semaphore, #tpu.memory_space<semaphore_mem>>
        %dma_start3A = arith.constant 0 : i32
        %dma_start3A_30 = tpu.memref_slice %arg8[%add3A_29, %dma_start3A] : memref<5248x128xf32, #tpu.memory_space<vmem_shared>> -> memref<80x128xf32, #tpu.memory_space<vmem_shared>>
        %dma_start3A_31 = arith.constant 0 : i32
        %dma_start3A_32 = tpu.memref_slice %arg8[%add3A_29, %dma_start3A_31] : memref<5248x128xf32, #tpu.memory_space<vmem_shared>> -> memref<80x128xf32, #tpu.memory_space<vmem_shared>>
        tpu.enqueue_dma source(%arg6 : memref<80x128xf32, #tpu.memory_space<vmem>>) target(%dma_start3A_32 : memref<80x128xf32, #tpu.memory_space<vmem_shared>>) target_semaphore(%run_scoped3A : memref<!tpu.dma_semaphore, #tpu.memory_space<semaphore_mem>>)
        %dma_wait3A = arith.constant 0 : i32
        %dma_wait3A_33 = tpu.memref_slice %arg8[%add3A_29, %dma_wait3A] : memref<5248x128xf32, #tpu.memory_space<vmem_shared>> -> memref<80x128xf32, #tpu.memory_space<vmem_shared>>
        %dma_wait3A_34 = arith.constant 0 : i32
        %dma_wait3A_35 = tpu.memref_slice %arg8[%add3A_29, %dma_wait3A_34] : memref<5248x128xf32, #tpu.memory_space<vmem_shared>> -> memref<80x128xf32, #tpu.memory_space<vmem_shared>>
        tpu.wait_dma2 semaphore(%run_scoped3A : memref<!tpu.dma_semaphore, #tpu.memory_space<semaphore_mem>>) src(%arg6 : memref<80x128xf32, #tpu.memory_space<vmem>>) dst(%dma_wait3A_35 : memref<80x128xf32, #tpu.memory_space<vmem_shared>>)
        tpu.yield
      }) : () -> ()
    }
    %scan3A_7 = arith.constant 4 : i32
    %add3A_8 = arith.constant 320 : i32
    %add3A_9 = arith.addi %mul3A_2, %add3A_8 : i32
    "tpu.region"() ({
      %run_scoped3A = tpu.sem_alloc : memref<!tpu.dma_semaphore, #tpu.memory_space<semaphore_mem>>
      %dma_start3A = arith.constant 0 : i32
      %dma_start3A_26 = arith.constant 0 : i32
      %dma_start3A_27 = tpu.memref_slice %arg6[%dma_start3A, %dma_start3A_26] : memref<80x128xf32, #tpu.memory_space<vmem>> -> memref<8x128xf32, #tpu.memory_space<vmem>>
      %dma_start3A_28 = arith.constant 0 : i32
      %dma_start3A_29 = tpu.memref_slice %arg8[%add3A_9, %dma_start3A_28] : memref<5248x128xf32, #tpu.memory_space<vmem_shared>> -> memref<8x128xf32, #tpu.memory_space<vmem_shared>>
      %dma_start3A_30 = arith.constant 0 : i32
      %dma_start3A_31 = tpu.memref_slice %arg8[%add3A_9, %dma_start3A_30] : memref<5248x128xf32, #tpu.memory_space<vmem_shared>> -> memref<8x128xf32, #tpu.memory_space<vmem_shared>>
      %dma_start3A_32 = arith.constant 0 : i32
      %dma_start3A_33 = arith.constant 0 : i32
      %dma_start3A_34 = tpu.memref_slice %arg6[%dma_start3A_32, %dma_start3A_33] : memref<80x128xf32, #tpu.memory_space<vmem>> -> memref<8x128xf32, #tpu.memory_space<vmem>>
      tpu.enqueue_dma source(%dma_start3A_34 : memref<8x128xf32, #tpu.memory_space<vmem>>) target(%dma_start3A_31 : memref<8x128xf32, #tpu.memory_space<vmem_shared>>) target_semaphore(%run_scoped3A : memref<!tpu.dma_semaphore, #tpu.memory_space<semaphore_mem>>)
      %dma_wait3A = arith.constant 0 : i32
      %dma_wait3A_35 = arith.constant 0 : i32
      %dma_wait3A_36 = tpu.memref_slice %arg6[%dma_wait3A, %dma_wait3A_35] : memref<80x128xf32, #tpu.memory_space<vmem>> -> memref<8x128xf32, #tpu.memory_space<vmem>>
      %dma_wait3A_37 = arith.constant 0 : i32
      %dma_wait3A_38 = tpu.memref_slice %arg8[%add3A_9, %dma_wait3A_37] : memref<5248x128xf32, #tpu.memory_space<vmem_shared>> -> memref<8x128xf32, #tpu.memory_space<vmem_shared>>
      %dma_wait3A_39 = arith.constant 0 : i32
      %dma_wait3A_40 = tpu.memref_slice %arg8[%add3A_9, %dma_wait3A_39] : memref<5248x128xf32, #tpu.memory_space<vmem_shared>> -> memref<8x128xf32, #tpu.memory_space<vmem_shared>>
      %dma_wait3A_41 = arith.constant 0 : i32
      %dma_wait3A_42 = arith.constant 0 : i32
      %dma_wait3A_43 = tpu.memref_slice %arg6[%dma_wait3A_41, %dma_wait3A_42] : memref<80x128xf32, #tpu.memory_space<vmem>> -> memref<8x128xf32, #tpu.memory_space<vmem>>
      tpu.wait_dma2 semaphore(%run_scoped3A : memref<!tpu.dma_semaphore, #tpu.memory_space<semaphore_mem>>) src(%dma_wait3A_43 : memref<8x128xf32, #tpu.memory_space<vmem>>) dst(%dma_wait3A_40 : memref<8x128xf32, #tpu.memory_space<vmem_shared>>)
      tpu.yield
    }) : () -> ()
    "tpu.region"() ({
      %run_scoped3A = tpu.sem_alloc : memref<!tpu.dma_semaphore, #tpu.memory_space<semaphore_mem>>
      %dma_start3A = arith.constant 0 : i32
      %dma_start3A_26 = arith.constant 0 : i32
      %dma_start3A_27 = tpu.memref_slice %arg3[%add3A, %dma_start3A, %dma_start3A_26] : memref<32x250x80xi32, #tpu.memory_space<hbm>> -> memref<1x250x80xi32, #tpu.memory_space<hbm>>
      %dma_start3A_28 = tpu.memref_squeeze %dma_start3A_27 : memref<1x250x80xi32, #tpu.memory_space<hbm>> -> memref<250x80xi32, #tpu.memory_space<hbm>>
      %dma_start3A_29 = arith.constant 0 : i32
      %dma_start3A_30 = arith.constant 0 : i32
      %dma_start3A_31 = tpu.memref_slice %arg3[%add3A, %dma_start3A_29, %dma_start3A_30] : memref<32x250x80xi32, #tpu.memory_space<hbm>> -> memref<1x250x80xi32, #tpu.memory_space<hbm>>
      %dma_start3A_32 = tpu.memref_squeeze %dma_start3A_31 : memref<1x250x80xi32, #tpu.memory_space<hbm>> -> memref<250x80xi32, #tpu.memory_space<hbm>>
      tpu.enqueue_dma source(%dma_start3A_32 : memref<250x80xi32, #tpu.memory_space<hbm>>) target(%arg7 : memref<250x80xi32, #tpu.memory_space<vmem>>) target_semaphore(%run_scoped3A : memref<!tpu.dma_semaphore, #tpu.memory_space<semaphore_mem>>)
      %dma_wait3A = arith.constant 0 : i32
      %dma_wait3A_33 = arith.constant 0 : i32
      %dma_wait3A_34 = tpu.memref_slice %arg3[%add3A, %dma_wait3A, %dma_wait3A_33] : memref<32x250x80xi32, #tpu.memory_space<hbm>> -> memref<1x250x80xi32, #tpu.memory_space<hbm>>
      %dma_wait3A_35 = tpu.memref_squeeze %dma_wait3A_34 : memref<1x250x80xi32, #tpu.memory_space<hbm>> -> memref<250x80xi32, #tpu.memory_space<hbm>>
      %dma_wait3A_36 = arith.constant 0 : i32
      %dma_wait3A_37 = arith.constant 0 : i32
      %dma_wait3A_38 = tpu.memref_slice %arg3[%add3A, %dma_wait3A_36, %dma_wait3A_37] : memref<32x250x80xi32, #tpu.memory_space<hbm>> -> memref<1x250x80xi32, #tpu.memory_space<hbm>>
      %dma_wait3A_39 = tpu.memref_squeeze %dma_wait3A_38 : memref<1x250x80xi32, #tpu.memory_space<hbm>> -> memref<250x80xi32, #tpu.memory_space<hbm>>
      tpu.wait_dma2 semaphore(%run_scoped3A : memref<!tpu.dma_semaphore, #tpu.memory_space<semaphore_mem>>) src(%dma_wait3A_39 : memref<250x80xi32, #tpu.memory_space<hbm>>) dst(%arg7 : memref<250x80xi32, #tpu.memory_space<vmem>>)
      tpu.yield
    }) : () -> ()
    %barrier3A = arith.constant 0 : index
    tpu.barrier barrier_id(%barrier3A)
    %scan3A_10 = arith.constant 0 : i32
    %scan3A_11 = arith.constant 0 : i32
    %scan3A_12 = arith.constant 250 : i32
    %scan3A_13 = arith.addi %scan3A_11, %scan3A_12 : i32
    %scan3A_14 = arith.constant 1 : i32
    scf.for %scan3A_26 = %scan3A_11 to %scan3A_13 step %scan3A_14  : i32 {
      %mul3A_27 = arith.constant 20000 : i32
      %mul3A_28 = arith.muli %arg1, %mul3A_27 : i32
      %mul3A_29 = arith.constant 80 : i32
      %mul3A_30 = arith.muli %scan3A_26, %mul3A_29 : i32
      %add3A_31 = arith.addi %mul3A_28, %mul3A_30 : i32
      "tpu.region"() ({
        %run_scoped3A = tpu.sem_alloc : memref<!tpu.dma_semaphore, #tpu.memory_space<semaphore_mem>>
        %dma_start3A = arith.constant 0 : i32
        %dma_start3A_32 = tpu.memref_slice %arg2[%add3A_31, %dma_start3A] : memref<320000x128xf32, #tpu.memory_space<hbm>> -> memref<80x128xf32, #tpu.memory_space<hbm>>
        %dma_start3A_33 = arith.constant 0 : i32
        %dma_start3A_34 = tpu.memref_slice %arg2[%add3A_31, %dma_start3A_33] : memref<320000x128xf32, #tpu.memory_space<hbm>> -> memref<80x128xf32, #tpu.memory_space<hbm>>
        tpu.enqueue_dma source(%dma_start3A_34 : memref<80x128xf32, #tpu.memory_space<hbm>>) target(%arg6 : memref<80x128xf32, #tpu.memory_space<vmem>>) target_semaphore(%run_scoped3A : memref<!tpu.dma_semaphore, #tpu.memory_space<semaphore_mem>>)
        %dma_wait3A = arith.constant 0 : i32
        %dma_wait3A_35 = tpu.memref_slice %arg2[%add3A_31, %dma_wait3A] : memref<320000x128xf32, #tpu.memory_space<hbm>> -> memref<80x128xf32, #tpu.memory_space<hbm>>
        %dma_wait3A_36 = arith.constant 0 : i32
        %dma_wait3A_37 = tpu.memref_slice %arg2[%add3A_31, %dma_wait3A_36] : memref<320000x128xf32, #tpu.memory_space<hbm>> -> memref<80x128xf32, #tpu.memory_space<hbm>>
        tpu.wait_dma2 semaphore(%run_scoped3A : memref<!tpu.dma_semaphore, #tpu.memory_space<semaphore_mem>>) src(%dma_wait3A_37 : memref<80x128xf32, #tpu.memory_space<hbm>>) dst(%arg6 : memref<80x128xf32, #tpu.memory_space<vmem>>)
        tpu.yield
      }) : () -> ()
      "tpu.region"() ({
        %run_scoped3A = tpu.sem_alloc : memref<!tpu.dma_semaphore, #tpu.memory_space<semaphore_mem>>
        %dma_start3A = arith.constant 0 : i32
        %dma_start3A_32 = tpu.memref_slice %arg7[%scan3A_26, %dma_start3A] : memref<250x80xi32, #tpu.memory_space<vmem>> -> memref<1x80xi32, #tpu.memory_space<vmem>>
        %dma_start3A_33 = tpu.memref_squeeze %dma_start3A_32 : memref<1x80xi32, #tpu.memory_space<vmem>> -> memref<80xi32, #tpu.memory_space<vmem>>
        %dma_start3A_34 = arith.constant 0 : i32
        %dma_start3A_35 = arith.constant 0 : i32
        %dma_start3A_36 = tpu.memref_slice %arg8[%dma_start3A_34, %dma_start3A_35] : memref<5248x128xf32, #tpu.memory_space<vmem_shared>> -> memref<5248x128xf32, #tpu.memory_space<vmem_shared>>
        tpu.enqueue_indirect_dma source(%arg6 : memref<80x128xf32, #tpu.memory_space<vmem>>) target(%dma_start3A_36 : memref<5248x128xf32, #tpu.memory_space<vmem_shared>>) offsets(%dma_start3A_33 : memref<80xi32, #tpu.memory_space<vmem>>) semaphore(%run_scoped3A : memref<!tpu.dma_semaphore, #tpu.memory_space<semaphore_mem>>) {add = true}
        %dma_wait3A = arith.constant 0 : i32
        %dma_wait3A_37 = tpu.memref_slice %arg7[%scan3A_26, %dma_wait3A] : memref<250x80xi32, #tpu.memory_space<vmem>> -> memref<1x80xi32, #tpu.memory_space<vmem>>
        %dma_wait3A_38 = tpu.memref_squeeze %dma_wait3A_37 : memref<1x80xi32, #tpu.memory_space<vmem>> -> memref<80xi32, #tpu.memory_space<vmem>>
        %dma_wait3A_39 = arith.constant 0 : i32
        %dma_wait3A_40 = arith.constant 0 : i32
        %dma_wait3A_41 = tpu.memref_slice %arg8[%dma_wait3A_39, %dma_wait3A_40] : memref<5248x128xf32, #tpu.memory_space<vmem_shared>> -> memref<5248x128xf32, #tpu.memory_space<vmem_shared>>
        tpu.wait_indirect_dma semaphore(%run_scoped3A : memref<!tpu.dma_semaphore, #tpu.memory_space<semaphore_mem>>) src(%arg6 : memref<80x128xf32, #tpu.memory_space<vmem>>) dst(%dma_wait3A_41 : memref<5248x128xf32, #tpu.memory_space<vmem_shared>>)
        tpu.yield
      }) : () -> ()
    }
    %scan3A_15 = arith.constant 250 : i32
    %barrier3A_16 = arith.constant 0 : index
    tpu.barrier barrier_id(%barrier3A_16)
    %scan3A_17 = arith.constant 0 : i32
    %scan3A_18 = arith.constant 0 : i32
    %scan3A_19 = arith.constant 4 : i32
    %scan3A_20 = arith.addi %scan3A_18, %scan3A_19 : i32
    %scan3A_21 = arith.constant 1 : i32
    scf.for %scan3A_26 = %scan3A_18 to %scan3A_20 step %scan3A_21  : i32 {
      %mul3A_27 = arith.constant 80 : i32
      %mul3A_28 = arith.muli %scan3A_26, %mul3A_27 : i32
      %add3A_29 = arith.addi %mul3A_2, %mul3A_28 : i32
      "tpu.region"() ({
        %run_scoped3A = tpu.sem_alloc : memref<!tpu.dma_semaphore, #tpu.memory_space<semaphore_mem>>
        %dma_start3A = arith.constant 0 : i32
        %dma_start3A_33 = tpu.memref_slice %arg8[%add3A_29, %dma_start3A] : memref<5248x128xf32, #tpu.memory_space<vmem_shared>> -> memref<80x128xf32, #tpu.memory_space<vmem_shared>>
        %dma_start3A_34 = arith.constant 0 : i32
        %dma_start3A_35 = tpu.memref_slice %arg8[%add3A_29, %dma_start3A_34] : memref<5248x128xf32, #tpu.memory_space<vmem_shared>> -> memref<80x128xf32, #tpu.memory_space<vmem_shared>>
        tpu.enqueue_dma source(%dma_start3A_35 : memref<80x128xf32, #tpu.memory_space<vmem_shared>>) target(%arg6 : memref<80x128xf32, #tpu.memory_space<vmem>>) target_semaphore(%run_scoped3A : memref<!tpu.dma_semaphore, #tpu.memory_space<semaphore_mem>>)
        %dma_wait3A = arith.constant 0 : i32
        %dma_wait3A_36 = tpu.memref_slice %arg8[%add3A_29, %dma_wait3A] : memref<5248x128xf32, #tpu.memory_space<vmem_shared>> -> memref<80x128xf32, #tpu.memory_space<vmem_shared>>
        %dma_wait3A_37 = arith.constant 0 : i32
        %dma_wait3A_38 = tpu.memref_slice %arg8[%add3A_29, %dma_wait3A_37] : memref<5248x128xf32, #tpu.memory_space<vmem_shared>> -> memref<80x128xf32, #tpu.memory_space<vmem_shared>>
        tpu.wait_dma2 semaphore(%run_scoped3A : memref<!tpu.dma_semaphore, #tpu.memory_space<semaphore_mem>>) src(%dma_wait3A_38 : memref<80x128xf32, #tpu.memory_space<vmem_shared>>) dst(%arg6 : memref<80x128xf32, #tpu.memory_space<vmem>>)
        tpu.yield
      }) : () -> ()
      %mul3A_30 = arith.constant 5248 : i32
      %mul3A_31 = arith.muli %arg0, %mul3A_30 : i32
      %add3A_32 = arith.addi %mul3A_31, %add3A_29 : i32
      "tpu.region"() ({
        %run_scoped3A = tpu.sem_alloc : memref<!tpu.dma_semaphore, #tpu.memory_space<semaphore_mem>>
        %dma_start3A = arith.constant 0 : i32
        %dma_start3A_33 = tpu.memref_slice %arg5[%add3A_32, %dma_start3A] : memref<10496x128xf32, #tpu.memory_space<hbm>> -> memref<80x128xf32, #tpu.memory_space<hbm>>
        %dma_start3A_34 = arith.constant 0 : i32
        %dma_start3A_35 = tpu.memref_slice %arg5[%add3A_32, %dma_start3A_34] : memref<10496x128xf32, #tpu.memory_space<hbm>> -> memref<80x128xf32, #tpu.memory_space<hbm>>
        tpu.enqueue_dma source(%arg6 : memref<80x128xf32, #tpu.memory_space<vmem>>) target(%dma_start3A_35 : memref<80x128xf32, #tpu.memory_space<hbm>>) target_semaphore(%run_scoped3A : memref<!tpu.dma_semaphore, #tpu.memory_space<semaphore_mem>>)
        %dma_wait3A = arith.constant 0 : i32
        %dma_wait3A_36 = tpu.memref_slice %arg5[%add3A_32, %dma_wait3A] : memref<10496x128xf32, #tpu.memory_space<hbm>> -> memref<80x128xf32, #tpu.memory_space<hbm>>
        %dma_wait3A_37 = arith.constant 0 : i32
        %dma_wait3A_38 = tpu.memref_slice %arg5[%add3A_32, %dma_wait3A_37] : memref<10496x128xf32, #tpu.memory_space<hbm>> -> memref<80x128xf32, #tpu.memory_space<hbm>>
        tpu.wait_dma2 semaphore(%run_scoped3A : memref<!tpu.dma_semaphore, #tpu.memory_space<semaphore_mem>>) src(%arg6 : memref<80x128xf32, #tpu.memory_space<vmem>>) dst(%dma_wait3A_38 : memref<80x128xf32, #tpu.memory_space<hbm>>)
        tpu.yield
      }) : () -> ()
    }
    %scan3A_22 = arith.constant 4 : i32
    "tpu.region"() ({
      %run_scoped3A = tpu.sem_alloc : memref<!tpu.dma_semaphore, #tpu.memory_space<semaphore_mem>>
      %dma_start3A = arith.constant 0 : i32
      %dma_start3A_26 = arith.constant 0 : i32
      %dma_start3A_27 = tpu.memref_slice %arg6[%dma_start3A, %dma_start3A_26] : memref<80x128xf32, #tpu.memory_space<vmem>> -> memref<8x128xf32, #tpu.memory_space<vmem>>
      %dma_start3A_28 = arith.constant 0 : i32
      %dma_start3A_29 = tpu.memref_slice %arg8[%add3A_9, %dma_start3A_28] : memref<5248x128xf32, #tpu.memory_space<vmem_shared>> -> memref<8x128xf32, #tpu.memory_space<vmem_shared>>
      %dma_start3A_30 = arith.constant 0 : i32
      %dma_start3A_31 = arith.constant 0 : i32
      %dma_start3A_32 = tpu.memref_slice %arg6[%dma_start3A_30, %dma_start3A_31] : memref<80x128xf32, #tpu.memory_space<vmem>> -> memref<8x128xf32, #tpu.memory_space<vmem>>
      %dma_start3A_33 = arith.constant 0 : i32
      %dma_start3A_34 = tpu.memref_slice %arg8[%add3A_9, %dma_start3A_33] : memref<5248x128xf32, #tpu.memory_space<vmem_shared>> -> memref<8x128xf32, #tpu.memory_space<vmem_shared>>
      tpu.enqueue_dma source(%dma_start3A_34 : memref<8x128xf32, #tpu.memory_space<vmem_shared>>) target(%dma_start3A_32 : memref<8x128xf32, #tpu.memory_space<vmem>>) target_semaphore(%run_scoped3A : memref<!tpu.dma_semaphore, #tpu.memory_space<semaphore_mem>>)
      %dma_wait3A = arith.constant 0 : i32
      %dma_wait3A_35 = arith.constant 0 : i32
      %dma_wait3A_36 = tpu.memref_slice %arg6[%dma_wait3A, %dma_wait3A_35] : memref<80x128xf32, #tpu.memory_space<vmem>> -> memref<8x128xf32, #tpu.memory_space<vmem>>
      %dma_wait3A_37 = arith.constant 0 : i32
      %dma_wait3A_38 = tpu.memref_slice %arg8[%add3A_9, %dma_wait3A_37] : memref<5248x128xf32, #tpu.memory_space<vmem_shared>> -> memref<8x128xf32, #tpu.memory_space<vmem_shared>>
      %dma_wait3A_39 = arith.constant 0 : i32
      %dma_wait3A_40 = arith.constant 0 : i32
      %dma_wait3A_41 = tpu.memref_slice %arg6[%dma_wait3A_39, %dma_wait3A_40] : memref<80x128xf32, #tpu.memory_space<vmem>> -> memref<8x128xf32, #tpu.memory_space<vmem>>
      %dma_wait3A_42 = arith.constant 0 : i32
      %dma_wait3A_43 = tpu.memref_slice %arg8[%add3A_9, %dma_wait3A_42] : memref<5248x128xf32, #tpu.memory_space<vmem_shared>> -> memref<8x128xf32, #tpu.memory_space<vmem_shared>>
      tpu.wait_dma2 semaphore(%run_scoped3A : memref<!tpu.dma_semaphore, #tpu.memory_space<semaphore_mem>>) src(%dma_wait3A_43 : memref<8x128xf32, #tpu.memory_space<vmem_shared>>) dst(%dma_wait3A_41 : memref<8x128xf32, #tpu.memory_space<vmem>>)
      tpu.yield
    }) : () -> ()
    %mul3A_23 = arith.constant 5248 : i32
    %mul3A_24 = arith.muli %arg0, %mul3A_23 : i32
    %add3A_25 = arith.addi %mul3A_24, %add3A_9 : i32
    "tpu.region"() ({
      %run_scoped3A = tpu.sem_alloc : memref<!tpu.dma_semaphore, #tpu.memory_space<semaphore_mem>>
      %dma_start3A = arith.constant 0 : i32
      %dma_start3A_26 = arith.constant 0 : i32
      %dma_start3A_27 = tpu.memref_slice %arg6[%dma_start3A, %dma_start3A_26] : memref<80x128xf32, #tpu.memory_space<vmem>> -> memref<8x128xf32, #tpu.memory_space<vmem>>
      %dma_start3A_28 = arith.constant 0 : i32
      %dma_start3A_29 = tpu.memref_slice %arg5[%add3A_25, %dma_start3A_28] : memref<10496x128xf32, #tpu.memory_space<hbm>> -> memref<8x128xf32, #tpu.memory_space<hbm>>
      %dma_start3A_30 = arith.constant 0 : i32
      %dma_start3A_31 = tpu.memref_slice %arg5[%add3A_25, %dma_start3A_30] : memref<10496x128xf32, #tpu.memory_space<hbm>> -> memref<8x128xf32, #tpu.memory_space<hbm>>
      %dma_start3A_32 = arith.constant 0 : i32
      %dma_start3A_33 = arith.constant 0 : i32
      %dma_start3A_34 = tpu.memref_slice %arg6[%dma_start3A_32, %dma_start3A_33] : memref<80x128xf32, #tpu.memory_space<vmem>> -> memref<8x128xf32, #tpu.memory_space<vmem>>
      tpu.enqueue_dma source(%dma_start3A_34 : memref<8x128xf32, #tpu.memory_space<vmem>>) target(%dma_start3A_31 : memref<8x128xf32, #tpu.memory_space<hbm>>) target_semaphore(%run_scoped3A : memref<!tpu.dma_semaphore, #tpu.memory_space<semaphore_mem>>)
      %dma_wait3A = arith.constant 0 : i32
      %dma_wait3A_35 = arith.constant 0 : i32
      %dma_wait3A_36 = tpu.memref_slice %arg6[%dma_wait3A, %dma_wait3A_35] : memref<80x128xf32, #tpu.memory_space<vmem>> -> memref<8x128xf32, #tpu.memory_space<vmem>>
      %dma_wait3A_37 = arith.constant 0 : i32
      %dma_wait3A_38 = tpu.memref_slice %arg5[%add3A_25, %dma_wait3A_37] : memref<10496x128xf32, #tpu.memory_space<hbm>> -> memref<8x128xf32, #tpu.memory_space<hbm>>
      %dma_wait3A_39 = arith.constant 0 : i32
      %dma_wait3A_40 = tpu.memref_slice %arg5[%add3A_25, %dma_wait3A_39] : memref<10496x128xf32, #tpu.memory_space<hbm>> -> memref<8x128xf32, #tpu.memory_space<hbm>>
      %dma_wait3A_41 = arith.constant 0 : i32
      %dma_wait3A_42 = arith.constant 0 : i32
      %dma_wait3A_43 = tpu.memref_slice %arg6[%dma_wait3A_41, %dma_wait3A_42] : memref<80x128xf32, #tpu.memory_space<vmem>> -> memref<8x128xf32, #tpu.memory_space<vmem>>
      tpu.wait_dma2 semaphore(%run_scoped3A : memref<!tpu.dma_semaphore, #tpu.memory_space<semaphore_mem>>) src(%dma_wait3A_43 : memref<8x128xf32, #tpu.memory_space<vmem>>) dst(%dma_wait3A_40 : memref<8x128xf32, #tpu.memory_space<hbm>>)
      tpu.yield
    }) : () -> ()
    return
  }
}

#map = affine_map<(d0, d1) -> (0, 0)>
#map1 = affine_map<(d0, d1) -> (0, 0, 0)>
module attributes {stable_mosaic.version = 14 : i64} {
  func.func @_sc_scatter(%arg0: i32, %arg1: i32, %arg2: memref<320000x128xf32, #tpu.memory_space<hbm>>, %arg3: memref<32x250x80xi32, #tpu.memory_space<hbm>>, %arg4: memref<80x128xf32, #tpu.memory_space<hbm>>, %arg5: memref<10496x128xf32, #tpu.memory_space<hbm>>, %arg6: memref<80x128xf32, #tpu.memory_space<vmem>>, %arg7: memref<250x80xi32, #tpu.memory_space<vmem>>, %arg8: memref<5248x128xf32, #tpu.memory_space<vmem_shared>>) attributes {dimension_semantics = [#tpu.dimension_semantics<core_parallel>, #tpu.dimension_semantics<subcore_parallel>], iteration_bounds = array<i64: 2, 16>, scalar_prefetch = 0 : i64, scratch_operands = 3 : i64, tpu.core_type = #tpu.core_type<sc_vector_subcore>, window_params = [{transform_indices = #map}, {transform_indices = #map1}, {transform_indices = #map}, {transform_indices = #map}]} {
    %mul3A = arith.constant 16 : i32
    %mul3A_0 = arith.muli %arg0, %mul3A : i32
    %add3A = arith.addi %mul3A_0, %arg1 : i32
    %mul3A_1 = arith.constant 328 : i32
    %mul3A_2 = arith.muli %arg1, %mul3A_1 : i32
    "tpu.region"() ({
      %run_scoped3A = tpu.sem_alloc : memref<!tpu.dma_semaphore, #tpu.memory_space<semaphore_mem>>
      tpu.enqueue_dma source(%arg4 : memref<80x128xf32, #tpu.memory_space<hbm>>) target(%arg6 : memref<80x128xf32, #tpu.memory_space<vmem>>) target_semaphore(%run_scoped3A : memref<!tpu.dma_semaphore, #tpu.memory_space<semaphore_mem>>)
      tpu.wait_dma2 semaphore(%run_scoped3A : memref<!tpu.dma_semaphore, #tpu.memory_space<semaphore_mem>>) src(%arg4 : memref<80x128xf32, #tpu.memory_space<hbm>>) dst(%arg6 : memref<80x128xf32, #tpu.memory_space<vmem>>)
      tpu.yield
    }) : () -> ()
    %scan3A = arith.constant 0 : i32
    %scan3A_3 = arith.constant 0 : i32
    %scan3A_4 = arith.constant 4 : i32
    %scan3A_5 = arith.addi %scan3A_3, %scan3A_4 : i32
    %scan3A_6 = arith.constant 1 : i32
    scf.for %scan3A_26 = %scan3A_3 to %scan3A_5 step %scan3A_6  : i32 {
      %mul3A_27 = arith.constant 80 : i32
      %mul3A_28 = arith.muli %scan3A_26, %mul3A_27 : i32
      %add3A_29 = arith.addi %mul3A_2, %mul3A_28 : i32
      "tpu.region"() ({
        %run_scoped3A = tpu.sem_alloc : memref<!tpu.dma_semaphore, #tpu.memory_space<semaphore_mem>>
        %dma_start3A = arith.constant 0 : i32
        %dma_start3A_30 = tpu.memref_slice %arg8[%add3A_29, %dma_start3A] : memref<5248x128xf32, #tpu.memory_space<vmem_shared>> -> memref<80x128xf32, #tpu.memory_space<vmem_shared>>
        %dma_start3A_31 = arith.constant 0 : i32
        %dma_start3A_32 = tpu.memref_slice %arg8[%add3A_29, %dma_start3A_31] : memref<5248x128xf32, #tpu.memory_space<vmem_shared>> -> memref<80x128xf32, #tpu.memory_space<vmem_shared>>
        tpu.enqueue_dma source(%arg6 : memref<80x128xf32, #tpu.memory_space<vmem>>) target(%dma_start3A_32 : memref<80x128xf32, #tpu.memory_space<vmem_shared>>) target_semaphore(%run_scoped3A : memref<!tpu.dma_semaphore, #tpu.memory_space<semaphore_mem>>)
        %dma_wait3A = arith.constant 0 : i32
        %dma_wait3A_33 = tpu.memref_slice %arg8[%add3A_29, %dma_wait3A] : memref<5248x128xf32, #tpu.memory_space<vmem_shared>> -> memref<80x128xf32, #tpu.memory_space<vmem_shared>>
        %dma_wait3A_34 = arith.constant 0 : i32
        %dma_wait3A_35 = tpu.memref_slice %arg8[%add3A_29, %dma_wait3A_34] : memref<5248x128xf32, #tpu.memory_space<vmem_shared>> -> memref<80x128xf32, #tpu.memory_space<vmem_shared>>
        tpu.wait_dma2 semaphore(%run_scoped3A : memref<!tpu.dma_semaphore, #tpu.memory_space<semaphore_mem>>) src(%arg6 : memref<80x128xf32, #tpu.memory_space<vmem>>) dst(%dma_wait3A_35 : memref<80x128xf32, #tpu.memory_space<vmem_shared>>)
        tpu.yield
      }) : () -> ()
    }
    %scan3A_7 = arith.constant 4 : i32
    %add3A_8 = arith.constant 320 : i32
    %add3A_9 = arith.addi %mul3A_2, %add3A_8 : i32
    "tpu.region"() ({
      %run_scoped3A = tpu.sem_alloc : memref<!tpu.dma_semaphore, #tpu.memory_space<semaphore_mem>>
      %dma_start3A = arith.constant 0 : i32
      %dma_start3A_26 = arith.constant 0 : i32
      %dma_start3A_27 = tpu.memref_slice %arg6[%dma_start3A, %dma_start3A_26] : memref<80x128xf32, #tpu.memory_space<vmem>> -> memref<8x128xf32, #tpu.memory_space<vmem>>
      %dma_start3A_28 = arith.constant 0 : i32
      %dma_start3A_29 = tpu.memref_slice %arg8[%add3A_9, %dma_start3A_28] : memref<5248x128xf32, #tpu.memory_space<vmem_shared>> -> memref<8x128xf32, #tpu.memory_space<vmem_shared>>
      %dma_start3A_30 = arith.constant 0 : i32
      %dma_start3A_31 = tpu.memref_slice %arg8[%add3A_9, %dma_start3A_30] : memref<5248x128xf32, #tpu.memory_space<vmem_shared>> -> memref<8x128xf32, #tpu.memory_space<vmem_shared>>
      %dma_start3A_32 = arith.constant 0 : i32
      %dma_start3A_33 = arith.constant 0 : i32
      %dma_start3A_34 = tpu.memref_slice %arg6[%dma_start3A_32, %dma_start3A_33] : memref<80x128xf32, #tpu.memory_space<vmem>> -> memref<8x128xf32, #tpu.memory_space<vmem>>
      tpu.enqueue_dma source(%dma_start3A_34 : memref<8x128xf32, #tpu.memory_space<vmem>>) target(%dma_start3A_31 : memref<8x128xf32, #tpu.memory_space<vmem_shared>>) target_semaphore(%run_scoped3A : memref<!tpu.dma_semaphore, #tpu.memory_space<semaphore_mem>>)
      %dma_wait3A = arith.constant 0 : i32
      %dma_wait3A_35 = arith.constant 0 : i32
      %dma_wait3A_36 = tpu.memref_slice %arg6[%dma_wait3A, %dma_wait3A_35] : memref<80x128xf32, #tpu.memory_space<vmem>> -> memref<8x128xf32, #tpu.memory_space<vmem>>
      %dma_wait3A_37 = arith.constant 0 : i32
      %dma_wait3A_38 = tpu.memref_slice %arg8[%add3A_9, %dma_wait3A_37] : memref<5248x128xf32, #tpu.memory_space<vmem_shared>> -> memref<8x128xf32, #tpu.memory_space<vmem_shared>>
      %dma_wait3A_39 = arith.constant 0 : i32
      %dma_wait3A_40 = tpu.memref_slice %arg8[%add3A_9, %dma_wait3A_39] : memref<5248x128xf32, #tpu.memory_space<vmem_shared>> -> memref<8x128xf32, #tpu.memory_space<vmem_shared>>
      %dma_wait3A_41 = arith.constant 0 : i32
      %dma_wait3A_42 = arith.constant 0 : i32
      %dma_wait3A_43 = tpu.memref_slice %arg6[%dma_wait3A_41, %dma_wait3A_42] : memref<80x128xf32, #tpu.memory_space<vmem>> -> memref<8x128xf32, #tpu.memory_space<vmem>>
      tpu.wait_dma2 semaphore(%run_scoped3A : memref<!tpu.dma_semaphore, #tpu.memory_space<semaphore_mem>>) src(%dma_wait3A_43 : memref<8x128xf32, #tpu.memory_space<vmem>>) dst(%dma_wait3A_40 : memref<8x128xf32, #tpu.memory_space<vmem_shared>>)
      tpu.yield
    }) : () -> ()
    "tpu.region"() ({
      %run_scoped3A = tpu.sem_alloc : memref<!tpu.dma_semaphore, #tpu.memory_space<semaphore_mem>>
      %dma_start3A = arith.constant 0 : i32
      %dma_start3A_26 = arith.constant 0 : i32
      %dma_start3A_27 = tpu.memref_slice %arg3[%add3A, %dma_start3A, %dma_start3A_26] : memref<32x250x80xi32, #tpu.memory_space<hbm>> -> memref<1x250x80xi32, #tpu.memory_space<hbm>>
      %dma_start3A_28 = tpu.memref_squeeze %dma_start3A_27 : memref<1x250x80xi32, #tpu.memory_space<hbm>> -> memref<250x80xi32, #tpu.memory_space<hbm>>
      %dma_start3A_29 = arith.constant 0 : i32
      %dma_start3A_30 = arith.constant 0 : i32
      %dma_start3A_31 = tpu.memref_slice %arg3[%add3A, %dma_start3A_29, %dma_start3A_30] : memref<32x250x80xi32, #tpu.memory_space<hbm>> -> memref<1x250x80xi32, #tpu.memory_space<hbm>>
      %dma_start3A_32 = tpu.memref_squeeze %dma_start3A_31 : memref<1x250x80xi32, #tpu.memory_space<hbm>> -> memref<250x80xi32, #tpu.memory_space<hbm>>
      tpu.enqueue_dma source(%dma_start3A_32 : memref<250x80xi32, #tpu.memory_space<hbm>>) target(%arg7 : memref<250x80xi32, #tpu.memory_space<vmem>>) target_semaphore(%run_scoped3A : memref<!tpu.dma_semaphore, #tpu.memory_space<semaphore_mem>>)
      %dma_wait3A = arith.constant 0 : i32
      %dma_wait3A_33 = arith.constant 0 : i32
      %dma_wait3A_34 = tpu.memref_slice %arg3[%add3A, %dma_wait3A, %dma_wait3A_33] : memref<32x250x80xi32, #tpu.memory_space<hbm>> -> memref<1x250x80xi32, #tpu.memory_space<hbm>>
      %dma_wait3A_35 = tpu.memref_squeeze %dma_wait3A_34 : memref<1x250x80xi32, #tpu.memory_space<hbm>> -> memref<250x80xi32, #tpu.memory_space<hbm>>
      %dma_wait3A_36 = arith.constant 0 : i32
      %dma_wait3A_37 = arith.constant 0 : i32
      %dma_wait3A_38 = tpu.memref_slice %arg3[%add3A, %dma_wait3A_36, %dma_wait3A_37] : memref<32x250x80xi32, #tpu.memory_space<hbm>> -> memref<1x250x80xi32, #tpu.memory_space<hbm>>
      %dma_wait3A_39 = tpu.memref_squeeze %dma_wait3A_38 : memref<1x250x80xi32, #tpu.memory_space<hbm>> -> memref<250x80xi32, #tpu.memory_space<hbm>>
      tpu.wait_dma2 semaphore(%run_scoped3A : memref<!tpu.dma_semaphore, #tpu.memory_space<semaphore_mem>>) src(%dma_wait3A_39 : memref<250x80xi32, #tpu.memory_space<hbm>>) dst(%arg7 : memref<250x80xi32, #tpu.memory_space<vmem>>)
      tpu.yield
    }) : () -> ()
    %barrier3A = arith.constant 0 : index
    tpu.barrier barrier_id(%barrier3A)
    %scan3A_10 = arith.constant 0 : i32
    %scan3A_11 = arith.constant 0 : i32
    %scan3A_12 = arith.constant 250 : i32
    %scan3A_13 = arith.addi %scan3A_11, %scan3A_12 : i32
    %scan3A_14 = arith.constant 1 : i32
    scf.for %scan3A_26 = %scan3A_11 to %scan3A_13 step %scan3A_14  : i32 {
      %mul3A_27 = arith.constant 20000 : i32
      %mul3A_28 = arith.muli %arg1, %mul3A_27 : i32
      %mul3A_29 = arith.constant 80 : i32
      %mul3A_30 = arith.muli %scan3A_26, %mul3A_29 : i32
      %add3A_31 = arith.addi %mul3A_28, %mul3A_30 : i32
      "tpu.region"() ({
        %run_scoped3A = tpu.sem_alloc : memref<!tpu.dma_semaphore, #tpu.memory_space<semaphore_mem>>
        %dma_start3A = arith.constant 0 : i32
        %dma_start3A_32 = tpu.memref_slice %arg2[%add3A_31, %dma_start3A] : memref<320000x128xf32, #tpu.memory_space<hbm>> -> memref<80x128xf32, #tpu.memory_space<hbm>>
        %dma_start3A_33 = arith.constant 0 : i32
        %dma_start3A_34 = tpu.memref_slice %arg2[%add3A_31, %dma_start3A_33] : memref<320000x128xf32, #tpu.memory_space<hbm>> -> memref<80x128xf32, #tpu.memory_space<hbm>>
        tpu.enqueue_dma source(%dma_start3A_34 : memref<80x128xf32, #tpu.memory_space<hbm>>) target(%arg6 : memref<80x128xf32, #tpu.memory_space<vmem>>) target_semaphore(%run_scoped3A : memref<!tpu.dma_semaphore, #tpu.memory_space<semaphore_mem>>)
        %dma_wait3A = arith.constant 0 : i32
        %dma_wait3A_35 = tpu.memref_slice %arg2[%add3A_31, %dma_wait3A] : memref<320000x128xf32, #tpu.memory_space<hbm>> -> memref<80x128xf32, #tpu.memory_space<hbm>>
        %dma_wait3A_36 = arith.constant 0 : i32
        %dma_wait3A_37 = tpu.memref_slice %arg2[%add3A_31, %dma_wait3A_36] : memref<320000x128xf32, #tpu.memory_space<hbm>> -> memref<80x128xf32, #tpu.memory_space<hbm>>
        tpu.wait_dma2 semaphore(%run_scoped3A : memref<!tpu.dma_semaphore, #tpu.memory_space<semaphore_mem>>) src(%dma_wait3A_37 : memref<80x128xf32, #tpu.memory_space<hbm>>) dst(%arg6 : memref<80x128xf32, #tpu.memory_space<vmem>>)
        tpu.yield
      }) : () -> ()
      "tpu.region"() ({
        %run_scoped3A = tpu.sem_alloc : memref<!tpu.dma_semaphore, #tpu.memory_space<semaphore_mem>>
        %dma_start3A = arith.constant 0 : i32
        %dma_start3A_32 = tpu.memref_slice %arg7[%scan3A_26, %dma_start3A] : memref<250x80xi32, #tpu.memory_space<vmem>> -> memref<1x80xi32, #tpu.memory_space<vmem>>
        %dma_start3A_33 = tpu.memref_squeeze %dma_start3A_32 : memref<1x80xi32, #tpu.memory_space<vmem>> -> memref<80xi32, #tpu.memory_space<vmem>>
        %dma_start3A_34 = arith.constant 0 : i32
        %dma_start3A_35 = arith.constant 0 : i32
        %dma_start3A_36 = tpu.memref_slice %arg8[%dma_start3A_34, %dma_start3A_35] : memref<5248x128xf32, #tpu.memory_space<vmem_shared>> -> memref<5248x128xf32, #tpu.memory_space<vmem_shared>>
        tpu.enqueue_indirect_dma source(%arg6 : memref<80x128xf32, #tpu.memory_space<vmem>>) target(%dma_start3A_36 : memref<5248x128xf32, #tpu.memory_space<vmem_shared>>) offsets(%dma_start3A_33 : memref<80xi32, #tpu.memory_space<vmem>>) semaphore(%run_scoped3A : memref<!tpu.dma_semaphore, #tpu.memory_space<semaphore_mem>>) {add = true}
        %dma_wait3A = arith.constant 0 : i32
        %dma_wait3A_37 = tpu.memref_slice %arg7[%scan3A_26, %dma_wait3A] : memref<250x80xi32, #tpu.memory_space<vmem>> -> memref<1x80xi32, #tpu.memory_space<vmem>>
        %dma_wait3A_38 = tpu.memref_squeeze %dma_wait3A_37 : memref<1x80xi32, #tpu.memory_space<vmem>> -> memref<80xi32, #tpu.memory_space<vmem>>
        %dma_wait3A_39 = arith.constant 0 : i32
        %dma_wait3A_40 = arith.constant 0 : i32
        %dma_wait3A_41 = tpu.memref_slice %arg8[%dma_wait3A_39, %dma_wait3A_40] : memref<5248x128xf32, #tpu.memory_space<vmem_shared>> -> memref<5248x128xf32, #tpu.memory_space<vmem_shared>>
        tpu.wait_indirect_dma semaphore(%run_scoped3A : memref<!tpu.dma_semaphore, #tpu.memory_space<semaphore_mem>>) src(%arg6 : memref<80x128xf32, #tpu.memory_space<vmem>>) dst(%dma_wait3A_41 : memref<5248x128xf32, #tpu.memory_space<vmem_shared>>)
        tpu.yield
      }) : () -> ()
    }
    %scan3A_15 = arith.constant 250 : i32
    %barrier3A_16 = arith.constant 0 : index
    tpu.barrier barrier_id(%barrier3A_16)
    %scan3A_17 = arith.constant 0 : i32
    %scan3A_18 = arith.constant 0 : i32
    %scan3A_19 = arith.constant 4 : i32
    %scan3A_20 = arith.addi %scan3A_18, %scan3A_19 : i32
    %scan3A_21 = arith.constant 1 : i32
    scf.for %scan3A_26 = %scan3A_18 to %scan3A_20 step %scan3A_21  : i32 {
      %mul3A_27 = arith.constant 80 : i32
      %mul3A_28 = arith.muli %scan3A_26, %mul3A_27 : i32
      %add3A_29 = arith.addi %mul3A_2, %mul3A_28 : i32
      "tpu.region"() ({
        %run_scoped3A = tpu.sem_alloc : memref<!tpu.dma_semaphore, #tpu.memory_space<semaphore_mem>>
        %dma_start3A = arith.constant 0 : i32
        %dma_start3A_33 = tpu.memref_slice %arg8[%add3A_29, %dma_start3A] : memref<5248x128xf32, #tpu.memory_space<vmem_shared>> -> memref<80x128xf32, #tpu.memory_space<vmem_shared>>
        %dma_start3A_34 = arith.constant 0 : i32
        %dma_start3A_35 = tpu.memref_slice %arg8[%add3A_29, %dma_start3A_34] : memref<5248x128xf32, #tpu.memory_space<vmem_shared>> -> memref<80x128xf32, #tpu.memory_space<vmem_shared>>
        tpu.enqueue_dma source(%dma_start3A_35 : memref<80x128xf32, #tpu.memory_space<vmem_shared>>) target(%arg6 : memref<80x128xf32, #tpu.memory_space<vmem>>) target_semaphore(%run_scoped3A : memref<!tpu.dma_semaphore, #tpu.memory_space<semaphore_mem>>)
        %dma_wait3A = arith.constant 0 : i32
        %dma_wait3A_36 = tpu.memref_slice %arg8[%add3A_29, %dma_wait3A] : memref<5248x128xf32, #tpu.memory_space<vmem_shared>> -> memref<80x128xf32, #tpu.memory_space<vmem_shared>>
        %dma_wait3A_37 = arith.constant 0 : i32
        %dma_wait3A_38 = tpu.memref_slice %arg8[%add3A_29, %dma_wait3A_37] : memref<5248x128xf32, #tpu.memory_space<vmem_shared>> -> memref<80x128xf32, #tpu.memory_space<vmem_shared>>
        tpu.wait_dma2 semaphore(%run_scoped3A : memref<!tpu.dma_semaphore, #tpu.memory_space<semaphore_mem>>) src(%dma_wait3A_38 : memref<80x128xf32, #tpu.memory_space<vmem_shared>>) dst(%arg6 : memref<80x128xf32, #tpu.memory_space<vmem>>)
        tpu.yield
      }) : () -> ()
      %mul3A_30 = arith.constant 5248 : i32
      %mul3A_31 = arith.muli %arg0, %mul3A_30 : i32
      %add3A_32 = arith.addi %mul3A_31, %add3A_29 : i32
      "tpu.region"() ({
        %run_scoped3A = tpu.sem_alloc : memref<!tpu.dma_semaphore, #tpu.memory_space<semaphore_mem>>
        %dma_start3A = arith.constant 0 : i32
        %dma_start3A_33 = tpu.memref_slice %arg5[%add3A_32, %dma_start3A] : memref<10496x128xf32, #tpu.memory_space<hbm>> -> memref<80x128xf32, #tpu.memory_space<hbm>>
        %dma_start3A_34 = arith.constant 0 : i32
        %dma_start3A_35 = tpu.memref_slice %arg5[%add3A_32, %dma_start3A_34] : memref<10496x128xf32, #tpu.memory_space<hbm>> -> memref<80x128xf32, #tpu.memory_space<hbm>>
        tpu.enqueue_dma source(%arg6 : memref<80x128xf32, #tpu.memory_space<vmem>>) target(%dma_start3A_35 : memref<80x128xf32, #tpu.memory_space<hbm>>) target_semaphore(%run_scoped3A : memref<!tpu.dma_semaphore, #tpu.memory_space<semaphore_mem>>)
        %dma_wait3A = arith.constant 0 : i32
        %dma_wait3A_36 = tpu.memref_slice %arg5[%add3A_32, %dma_wait3A] : memref<10496x128xf32, #tpu.memory_space<hbm>> -> memref<80x128xf32, #tpu.memory_space<hbm>>
        %dma_wait3A_37 = arith.constant 0 : i32
        %dma_wait3A_38 = tpu.memref_slice %arg5[%add3A_32, %dma_wait3A_37] : memref<10496x128xf32, #tpu.memory_space<hbm>> -> memref<80x128xf32, #tpu.memory_space<hbm>>
        tpu.wait_dma2 semaphore(%run_scoped3A : memref<!tpu.dma_semaphore, #tpu.memory_space<semaphore_mem>>) src(%arg6 : memref<80x128xf32, #tpu.memory_space<vmem>>) dst(%dma_wait3A_38 : memref<80x128xf32, #tpu.memory_space<hbm>>)
        tpu.yield
      }) : () -> ()
    }
    %scan3A_22 = arith.constant 4 : i32
    "tpu.region"() ({
      %run_scoped3A = tpu.sem_alloc : memref<!tpu.dma_semaphore, #tpu.memory_space<semaphore_mem>>
      %dma_start3A = arith.constant 0 : i32
      %dma_start3A_26 = arith.constant 0 : i32
      %dma_start3A_27 = tpu.memref_slice %arg6[%dma_start3A, %dma_start3A_26] : memref<80x128xf32, #tpu.memory_space<vmem>> -> memref<8x128xf32, #tpu.memory_space<vmem>>
      %dma_start3A_28 = arith.constant 0 : i32
      %dma_start3A_29 = tpu.memref_slice %arg8[%add3A_9, %dma_start3A_28] : memref<5248x128xf32, #tpu.memory_space<vmem_shared>> -> memref<8x128xf32, #tpu.memory_space<vmem_shared>>
      %dma_start3A_30 = arith.constant 0 : i32
      %dma_start3A_31 = arith.constant 0 : i32
      %dma_start3A_32 = tpu.memref_slice %arg6[%dma_start3A_30, %dma_start3A_31] : memref<80x128xf32, #tpu.memory_space<vmem>> -> memref<8x128xf32, #tpu.memory_space<vmem>>
      %dma_start3A_33 = arith.constant 0 : i32
      %dma_start3A_34 = tpu.memref_slice %arg8[%add3A_9, %dma_start3A_33] : memref<5248x128xf32, #tpu.memory_space<vmem_shared>> -> memref<8x128xf32, #tpu.memory_space<vmem_shared>>
      tpu.enqueue_dma source(%dma_start3A_34 : memref<8x128xf32, #tpu.memory_space<vmem_shared>>) target(%dma_start3A_32 : memref<8x128xf32, #tpu.memory_space<vmem>>) target_semaphore(%run_scoped3A : memref<!tpu.dma_semaphore, #tpu.memory_space<semaphore_mem>>)
      %dma_wait3A = arith.constant 0 : i32
      %dma_wait3A_35 = arith.constant 0 : i32
      %dma_wait3A_36 = tpu.memref_slice %arg6[%dma_wait3A, %dma_wait3A_35] : memref<80x128xf32, #tpu.memory_space<vmem>> -> memref<8x128xf32, #tpu.memory_space<vmem>>
      %dma_wait3A_37 = arith.constant 0 : i32
      %dma_wait3A_38 = tpu.memref_slice %arg8[%add3A_9, %dma_wait3A_37] : memref<5248x128xf32, #tpu.memory_space<vmem_shared>> -> memref<8x128xf32, #tpu.memory_space<vmem_shared>>
      %dma_wait3A_39 = arith.constant 0 : i32
      %dma_wait3A_40 = arith.constant 0 : i32
      %dma_wait3A_41 = tpu.memref_slice %arg6[%dma_wait3A_39, %dma_wait3A_40] : memref<80x128xf32, #tpu.memory_space<vmem>> -> memref<8x128xf32, #tpu.memory_space<vmem>>
      %dma_wait3A_42 = arith.constant 0 : i32
      %dma_wait3A_43 = tpu.memref_slice %arg8[%add3A_9, %dma_wait3A_42] : memref<5248x128xf32, #tpu.memory_space<vmem_shared>> -> memref<8x128xf32, #tpu.memory_space<vmem_shared>>
      tpu.wait_dma2 semaphore(%run_scoped3A : memref<!tpu.dma_semaphore, #tpu.memory_space<semaphore_mem>>) src(%dma_wait3A_43 : memref<8x128xf32, #tpu.memory_space<vmem_shared>>) dst(%dma_wait3A_41 : memref<8x128xf32, #tpu.memory_space<vmem>>)
      tpu.yield
    }) : () -> ()
    %mul3A_23 = arith.constant 5248 : i32
    %mul3A_24 = arith.muli %arg0, %mul3A_23 : i32
    %add3A_25 = arith.addi %mul3A_24, %add3A_9 : i32
    "tpu.region"() ({
      %run_scoped3A = tpu.sem_alloc : memref<!tpu.dma_semaphore, #tpu.memory_space<semaphore_mem>>
      %dma_start3A = arith.constant 0 : i32
      %dma_start3A_26 = arith.constant 0 : i32
      %dma_start3A_27 = tpu.memref_slice %arg6[%dma_start3A, %dma_start3A_26] : memref<80x128xf32, #tpu.memory_space<vmem>> -> memref<8x128xf32, #tpu.memory_space<vmem>>
      %dma_start3A_28 = arith.constant 0 : i32
      %dma_start3A_29 = tpu.memref_slice %arg5[%add3A_25, %dma_start3A_28] : memref<10496x128xf32, #tpu.memory_space<hbm>> -> memref<8x128xf32, #tpu.memory_space<hbm>>
      %dma_start3A_30 = arith.constant 0 : i32
      %dma_start3A_31 = tpu.memref_slice %arg5[%add3A_25, %dma_start3A_30] : memref<10496x128xf32, #tpu.memory_space<hbm>> -> memref<8x128xf32, #tpu.memory_space<hbm>>
      %dma_start3A_32 = arith.constant 0 : i32
      %dma_start3A_33 = arith.constant 0 : i32
      %dma_start3A_34 = tpu.memref_slice %arg6[%dma_start3A_32, %dma_start3A_33] : memref<80x128xf32, #tpu.memory_space<vmem>> -> memref<8x128xf32, #tpu.memory_space<vmem>>
      tpu.enqueue_dma source(%dma_start3A_34 : memref<8x128xf32, #tpu.memory_space<vmem>>) target(%dma_start3A_31 : memref<8x128xf32, #tpu.memory_space<hbm>>) target_semaphore(%run_scoped3A : memref<!tpu.dma_semaphore, #tpu.memory_space<semaphore_mem>>)
      %dma_wait3A = arith.constant 0 : i32
      %dma_wait3A_35 = arith.constant 0 : i32
      %dma_wait3A_36 = tpu.memref_slice %arg6[%dma_wait3A, %dma_wait3A_35] : memref<80x128xf32, #tpu.memory_space<vmem>> -> memref<8x128xf32, #tpu.memory_space<vmem>>
      %dma_wait3A_37 = arith.constant 0 : i32
      %dma_wait3A_38 = tpu.memref_slice %arg5[%add3A_25, %dma_wait3A_37] : memref<10496x128xf32, #tpu.memory_space<hbm>> -> memref<8x128xf32, #tpu.memory_space<hbm>>
      %dma_wait3A_39 = arith.constant 0 : i32
      %dma_wait3A_40 = tpu.memref_slice %arg5[%add3A_25, %dma_wait3A_39] : memref<10496x128xf32, #tpu.memory_space<hbm>> -> memref<8x128xf32, #tpu.memory_space<hbm>>
      %dma_wait3A_41 = arith.constant 0 : i32
      %dma_wait3A_42 = arith.constant 0 : i32
      %dma_wait3A_43 = tpu.memref_slice %arg6[%dma_wait3A_41, %dma_wait3A_42] : memref<80x128xf32, #tpu.memory_space<vmem>> -> memref<8x128xf32, #tpu.memory_space<vmem>>
      tpu.wait_dma2 semaphore(%run_scoped3A : memref<!tpu.dma_semaphore, #tpu.memory_space<semaphore_mem>>) src(%dma_wait3A_43 : memref<8x128xf32, #tpu.memory_space<vmem>>) dst(%dma_wait3A_40 : memref<8x128xf32, #tpu.memory_space<hbm>>)
      tpu.yield
    }) : () -> ()
    return
  }
}

module attributes {stable_mosaic.version = 14 : i64} {
  func.func @_dense_body(%arg0: i32, %arg1: memref<1280x128xf32, #tpu.memory_space<vmem>>, %arg2: memref<1280x128xf32, #tpu.memory_space<vmem>>, %arg3: memref<1280x16xf32, #tpu.memory_space<vmem>>, %arg4: memref<1x128xf32, #tpu.memory_space<vmem>>, %arg5: memref<272x128xf32, #tpu.memory_space<vmem>>, %arg6: memref<1x128xf32, #tpu.memory_space<vmem>>, %arg7: memref<128x128xf32, #tpu.memory_space<vmem>>, %arg8: memref<1x128xf32, #tpu.memory_space<vmem>>, %arg9: memref<272x128xf32, #tpu.memory_space<vmem>>, %arg10: memref<1x128xf32, #tpu.memory_space<vmem>>, %arg11: memref<272x128xf32, #tpu.memory_space<vmem>>, %arg12: memref<1x128xf32, #tpu.memory_space<vmem>>, %arg13: memref<128x128xf32, #tpu.memory_space<vmem>>, %arg14: memref<1x128xf32, #tpu.memory_space<vmem>>, %arg15: memref<272x128xf32, #tpu.memory_space<vmem>>, %arg16: memref<1x128xf32, #tpu.memory_space<vmem>>, %arg17: memref<1280x128xf32, #tpu.memory_space<vmem>>, %arg18: memref<1280x128xf32, #tpu.memory_space<vmem>>) attributes {dimension_semantics = [#tpu.dimension_semantics<arbitrary>], iteration_bounds = array<i64: 250>, scalar_prefetch = 0 : i64, scratch_operands = 0 : i64, tpu.core_type = #tpu.core_type<tc>, window_params = [{transform_indices = @transform_0, window_bounds = array<i64: 1280, 128>}, {transform_indices = @transform_1, window_bounds = array<i64: 1280, 128>}, {transform_indices = @transform_2, window_bounds = array<i64: 1280, 16>}, {pipeline_mode = #tpu.pipeline_mode<synchronous>, transform_indices = @transform_3, window_bounds = array<i64: 1, 128>}, {pipeline_mode = #tpu.pipeline_mode<synchronous>, transform_indices = @transform_4, window_bounds = array<i64: 272, 128>}, {pipeline_mode = #tpu.pipeline_mode<synchronous>, transform_indices = @transform_5, window_bounds = array<i64: 1, 128>}, {pipeline_mode = #tpu.pipeline_mode<synchronous>, transform_indices = @transform_6, window_bounds = array<i64: 128, 128>}, {pipeline_mode = #tpu.pipeline_mode<synchronous>, transform_indices = @transform_7, window_bounds = array<i64: 1, 128>}, {pipeline_mode = #tpu.pipeline_mode<synchronous>, transform_indices = @transform_8, window_bounds = array<i64: 272, 128>}, {pipeline_mode = #tpu.pipeline_mode<synchronous>, transform_indices = @transform_9, window_bounds = array<i64: 1, 128>}, {pipeline_mode = #tpu.pipeline_mode<synchronous>, transform_indices = @transform_10, window_bounds = array<i64: 272, 128>}, {pipeline_mode = #tpu.pipeline_mode<synchronous>, transform_indices = @transform_11, window_bounds = array<i64: 1, 128>}, {pipeline_mode = #tpu.pipeline_mode<synchronous>, transform_indices = @transform_12, window_bounds = array<i64: 128, 128>}, {pipeline_mode = #tpu.pipeline_mode<synchronous>, transform_indices = @transform_13, window_bounds = array<i64: 1, 128>}, {pipeline_mode = #tpu.pipeline_mode<synchronous>, transform_indices = @transform_14, window_bounds = array<i64: 272, 128>}, {pipeline_mode = #tpu.pipeline_mode<synchronous>, transform_indices = @transform_15, window_bounds = array<i64: 1, 128>}, {transform_indices = @transform_16, window_bounds = array<i64: 1280, 128>}, {transform_indices = @transform_17, window_bounds = array<i64: 1280, 128>}]} {
    %get3A = arith.constant 0 : index
    %get3A_0 = arith.constant 0 : index
    %get3A_1 = vector.load %arg1[%get3A, %get3A_0] : memref<1280x128xf32, #tpu.memory_space<vmem>>, vector<1280x128xf32>
    %get3A_2 = arith.constant 0 : index
    %get3A_3 = arith.constant 0 : index
    %get3A_4 = vector.load %arg2[%get3A_2, %get3A_3] : memref<1280x128xf32, #tpu.memory_space<vmem>>, vector<1280x128xf32>
    %get3A_5 = arith.constant 0 : index
    %get3A_6 = arith.constant 0 : index
    %get3A_7 = vector.load %arg3[%get3A_5, %get3A_6] : memref<1280x16xf32, #tpu.memory_space<vmem>>, vector<1280x16xf32>
    %get3A_8 = arith.constant 0 : index
    %get3A_9 = arith.constant 0 : index
    %get3A_10 = vector.load %arg5[%get3A_8, %get3A_9] : memref<272x128xf32, #tpu.memory_space<vmem>>, vector<272x128xf32>
    %slice3A = vector.extract_strided_slice %get3A_10 {offsets = [0, 0], sizes = [128, 128], strides = [1, 1]} : vector<272x128xf32> to vector<128x128xf32>
    %dot_general3A = arith.constant dense<0.000000e+00> : vector<1280x128xf32>
    %dot_general3A_11 = tpu.matmul %get3A_1, %slice3A, %dot_general3A {dimension_numbers = #tpu.dot_dimension_numbers<[1], [0], [0], [1], [0, 0, 1, 1], [], []>, transpose_lhs_hint = false} : vector<1280x128xf32>, vector<128x128xf32>, vector<1280x128xf32> -> vector<1280x128xf32>
    %slice3A_12 = vector.extract_strided_slice %get3A_10 {offsets = [128, 0], sizes = [128, 128], strides = [1, 1]} : vector<272x128xf32> to vector<128x128xf32>
    %dot_general3A_13 = arith.constant dense<0.000000e+00> : vector<1280x128xf32>
    %dot_general3A_14 = tpu.matmul %get3A_4, %slice3A_12, %dot_general3A_13 {dimension_numbers = #tpu.dot_dimension_numbers<[1], [0], [0], [1], [0, 0, 1, 1], [], []>, transpose_lhs_hint = false} : vector<1280x128xf32>, vector<128x128xf32>, vector<1280x128xf32> -> vector<1280x128xf32>
    %add3A = arith.addf %dot_general3A_11, %dot_general3A_14 : vector<1280x128xf32>
    %slice3A_15 = vector.extract_strided_slice %get3A_10 {offsets = [256, 0], sizes = [16, 128], strides = [1, 1]} : vector<272x128xf32> to vector<16x128xf32>
    %dot_general3A_16 = arith.constant dense<0.000000e+00> : vector<1280x128xf32>
    %dot_general3A_17 = tpu.matmul %get3A_7, %slice3A_15, %dot_general3A_16 {dimension_numbers = #tpu.dot_dimension_numbers<[1], [0], [0], [1], [0, 0, 1, 1], [], []>, transpose_lhs_hint = false} : vector<1280x16xf32>, vector<16x128xf32>, vector<1280x128xf32> -> vector<1280x128xf32>
    %add3A_18 = arith.addf %add3A, %dot_general3A_17 : vector<1280x128xf32>
    %get3A_19 = arith.constant 0 : index
    %get3A_20 = arith.constant 0 : index
    %get3A_21 = vector.load %arg6[%get3A_19, %get3A_20] : memref<1x128xf32, #tpu.memory_space<vmem>>, vector<1x128xf32>
    %add3A_22 = vector.broadcast %get3A_21 : vector<1x128xf32> to vector<1280x128xf32>
    %add3A_23 = arith.addf %add3A_18, %add3A_22 : vector<1280x128xf32>
    %max3A = arith.constant 0.000000e+00 : f32
    %max3A_24 = vector.broadcast %max3A : f32 to vector<1280x128xf32>
    %max3A_25 = arith.maximumf %add3A_23, %max3A_24 : vector<1280x128xf32>
    %get3A_26 = arith.constant 0 : index
    %get3A_27 = arith.constant 0 : index
    %get3A_28 = vector.load %arg7[%get3A_26, %get3A_27] : memref<128x128xf32, #tpu.memory_space<vmem>>, vector<128x128xf32>
    %dot_general3A_29 = arith.constant dense<0.000000e+00> : vector<1280x128xf32>
    %dot_general3A_30 = tpu.matmul %max3A_25, %get3A_28, %dot_general3A_29 {dimension_numbers = #tpu.dot_dimension_numbers<[1], [0], [0], [1], [0, 0, 1, 1], [], []>, transpose_lhs_hint = false} : vector<1280x128xf32>, vector<128x128xf32>, vector<1280x128xf32> -> vector<1280x128xf32>
    %get3A_31 = arith.constant 0 : index
    %get3A_32 = arith.constant 0 : index
    %get3A_33 = vector.load %arg8[%get3A_31, %get3A_32] : memref<1x128xf32, #tpu.memory_space<vmem>>, vector<1x128xf32>
    %add3A_34 = vector.broadcast %get3A_33 : vector<1x128xf32> to vector<1280x128xf32>
    %add3A_35 = arith.addf %dot_general3A_30, %add3A_34 : vector<1280x128xf32>
    %get3A_36 = arith.constant 0 : index
    %get3A_37 = arith.constant 0 : index
    %get3A_38 = vector.load %arg9[%get3A_36, %get3A_37] : memref<272x128xf32, #tpu.memory_space<vmem>>, vector<272x128xf32>
    %slice3A_39 = vector.extract_strided_slice %get3A_38 {offsets = [0, 0], sizes = [128, 128], strides = [1, 1]} : vector<272x128xf32> to vector<128x128xf32>
    %dot_general3A_40 = arith.constant dense<0.000000e+00> : vector<1280x128xf32>
    %dot_general3A_41 = tpu.matmul %get3A_1, %slice3A_39, %dot_general3A_40 {dimension_numbers = #tpu.dot_dimension_numbers<[1], [0], [0], [1], [0, 0, 1, 1], [], []>, transpose_lhs_hint = false} : vector<1280x128xf32>, vector<128x128xf32>, vector<1280x128xf32> -> vector<1280x128xf32>
    %slice3A_42 = vector.extract_strided_slice %get3A_38 {offsets = [128, 0], sizes = [128, 128], strides = [1, 1]} : vector<272x128xf32> to vector<128x128xf32>
    %dot_general3A_43 = arith.constant dense<0.000000e+00> : vector<1280x128xf32>
    %dot_general3A_44 = tpu.matmul %get3A_4, %slice3A_42, %dot_general3A_43 {dimension_numbers = #tpu.dot_dimension_numbers<[1], [0], [0], [1], [0, 0, 1, 1], [], []>, transpose_lhs_hint = false} : vector<1280x128xf32>, vector<128x128xf32>, vector<1280x128xf32> -> vector<1280x128xf32>
    %add3A_45 = arith.addf %dot_general3A_41, %dot_general3A_44 : vector<1280x128xf32>
    %slice3A_46 = vector.extract_strided_slice %get3A_38 {offsets = [256, 0], sizes = [16, 128], strides = [1, 1]} : vector<272x128xf32> to vector<16x128xf32>
    %dot_general3A_47 = arith.constant dense<0.000000e+00> : vector<1280x128xf32>
    %dot_general3A_48 = tpu.matmul %get3A_7, %slice3A_46, %dot_general3A_47 {dimension_numbers = #tpu.dot_dimension_numbers<[1], [0], [0], [1], [0, 0, 1, 1], [], []>, transpose_lhs_hint = false} : vector<1280x16xf32>, vector<16x128xf32>, vector<1280x128xf32> -> vector<1280x128xf32>
    %add3A_49 = arith.addf %add3A_45, %dot_general3A_48 : vector<1280x128xf32>
    %add3A_50 = arith.addf %add3A_35, %add3A_49 : vector<1280x128xf32>
    %get3A_51 = arith.constant 0 : index
    %get3A_52 = arith.constant 0 : index
    %get3A_53 = vector.load %arg10[%get3A_51, %get3A_52] : memref<1x128xf32, #tpu.memory_space<vmem>>, vector<1x128xf32>
    %add3A_54 = vector.broadcast %get3A_53 : vector<1x128xf32> to vector<1280x128xf32>
    %add3A_55 = arith.addf %add3A_50, %add3A_54 : vector<1280x128xf32>
    %get3A_56 = arith.constant 0 : index
    %get3A_57 = arith.constant 0 : index
    %get3A_58 = vector.load %arg11[%get3A_56, %get3A_57] : memref<272x128xf32, #tpu.memory_space<vmem>>, vector<272x128xf32>
    %slice3A_59 = vector.extract_strided_slice %get3A_58 {offsets = [0, 0], sizes = [128, 128], strides = [1, 1]} : vector<272x128xf32> to vector<128x128xf32>
    %dot_general3A_60 = arith.constant dense<0.000000e+00> : vector<1280x128xf32>
    %dot_general3A_61 = tpu.matmul %get3A_1, %slice3A_59, %dot_general3A_60 {dimension_numbers = #tpu.dot_dimension_numbers<[1], [0], [0], [1], [0, 0, 1, 1], [], []>, transpose_lhs_hint = false} : vector<1280x128xf32>, vector<128x128xf32>, vector<1280x128xf32> -> vector<1280x128xf32>
    %slice3A_62 = vector.extract_strided_slice %get3A_58 {offsets = [128, 0], sizes = [128, 128], strides = [1, 1]} : vector<272x128xf32> to vector<128x128xf32>
    %dot_general3A_63 = arith.constant dense<0.000000e+00> : vector<1280x128xf32>
    %dot_general3A_64 = tpu.matmul %get3A_4, %slice3A_62, %dot_general3A_63 {dimension_numbers = #tpu.dot_dimension_numbers<[1], [0], [0], [1], [0, 0, 1, 1], [], []>, transpose_lhs_hint = false} : vector<1280x128xf32>, vector<128x128xf32>, vector<1280x128xf32> -> vector<1280x128xf32>
    %add3A_65 = arith.addf %dot_general3A_61, %dot_general3A_64 : vector<1280x128xf32>
    %slice3A_66 = vector.extract_strided_slice %get3A_58 {offsets = [256, 0], sizes = [16, 128], strides = [1, 1]} : vector<272x128xf32> to vector<16x128xf32>
    %dot_general3A_67 = arith.constant dense<0.000000e+00> : vector<1280x128xf32>
    %dot_general3A_68 = tpu.matmul %get3A_7, %slice3A_66, %dot_general3A_67 {dimension_numbers = #tpu.dot_dimension_numbers<[1], [0], [0], [1], [0, 0, 1, 1], [], []>, transpose_lhs_hint = false} : vector<1280x16xf32>, vector<16x128xf32>, vector<1280x128xf32> -> vector<1280x128xf32>
    %add3A_69 = arith.addf %add3A_65, %dot_general3A_68 : vector<1280x128xf32>
    %get3A_70 = arith.constant 0 : index
    %get3A_71 = arith.constant 0 : index
    %get3A_72 = vector.load %arg12[%get3A_70, %get3A_71] : memref<1x128xf32, #tpu.memory_space<vmem>>, vector<1x128xf32>
    %add3A_73 = vector.broadcast %get3A_72 : vector<1x128xf32> to vector<1280x128xf32>
    %add3A_74 = arith.addf %add3A_69, %add3A_73 : vector<1280x128xf32>
    %max3A_75 = arith.constant 0.000000e+00 : f32
    %max3A_76 = vector.broadcast %max3A_75 : f32 to vector<1280x128xf32>
    %max3A_77 = arith.maximumf %add3A_74, %max3A_76 : vector<1280x128xf32>
    %get3A_78 = arith.constant 0 : index
    %get3A_79 = arith.constant 0 : index
    %get3A_80 = vector.load %arg13[%get3A_78, %get3A_79] : memref<128x128xf32, #tpu.memory_space<vmem>>, vector<128x128xf32>
    %dot_general3A_81 = arith.constant dense<0.000000e+00> : vector<1280x128xf32>
    %dot_general3A_82 = tpu.matmul %max3A_77, %get3A_80, %dot_general3A_81 {dimension_numbers = #tpu.dot_dimension_numbers<[1], [0], [0], [1], [0, 0, 1, 1], [], []>, transpose_lhs_hint = false} : vector<1280x128xf32>, vector<128x128xf32>, vector<1280x128xf32> -> vector<1280x128xf32>
    %get3A_83 = arith.constant 0 : index
    %get3A_84 = arith.constant 0 : index
    %get3A_85 = vector.load %arg14[%get3A_83, %get3A_84] : memref<1x128xf32, #tpu.memory_space<vmem>>, vector<1x128xf32>
    %add3A_86 = vector.broadcast %get3A_85 : vector<1x128xf32> to vector<1280x128xf32>
    %add3A_87 = arith.addf %dot_general3A_82, %add3A_86 : vector<1280x128xf32>
    %get3A_88 = arith.constant 0 : index
    %get3A_89 = arith.constant 0 : index
    %get3A_90 = vector.load %arg15[%get3A_88, %get3A_89] : memref<272x128xf32, #tpu.memory_space<vmem>>, vector<272x128xf32>
    %slice3A_91 = vector.extract_strided_slice %get3A_90 {offsets = [0, 0], sizes = [128, 128], strides = [1, 1]} : vector<272x128xf32> to vector<128x128xf32>
    %dot_general3A_92 = arith.constant dense<0.000000e+00> : vector<1280x128xf32>
    %dot_general3A_93 = tpu.matmul %get3A_1, %slice3A_91, %dot_general3A_92 {dimension_numbers = #tpu.dot_dimension_numbers<[1], [0], [0], [1], [0, 0, 1, 1], [], []>, transpose_lhs_hint = false} : vector<1280x128xf32>, vector<128x128xf32>, vector<1280x128xf32> -> vector<1280x128xf32>
    %slice3A_94 = vector.extract_strided_slice %get3A_90 {offsets = [128, 0], sizes = [128, 128], strides = [1, 1]} : vector<272x128xf32> to vector<128x128xf32>
    %dot_general3A_95 = arith.constant dense<0.000000e+00> : vector<1280x128xf32>
    %dot_general3A_96 = tpu.matmul %get3A_4, %slice3A_94, %dot_general3A_95 {dimension_numbers = #tpu.dot_dimension_numbers<[1], [0], [0], [1], [0, 0, 1, 1], [], []>, transpose_lhs_hint = false} : vector<1280x128xf32>, vector<128x128xf32>, vector<1280x128xf32> -> vector<1280x128xf32>
    %add3A_97 = arith.addf %dot_general3A_93, %dot_general3A_96 : vector<1280x128xf32>
    %slice3A_98 = vector.extract_strided_slice %get3A_90 {offsets = [256, 0], sizes = [16, 128], strides = [1, 1]} : vector<272x128xf32> to vector<16x128xf32>
    %dot_general3A_99 = arith.constant dense<0.000000e+00> : vector<1280x128xf32>
    %dot_general3A_100 = tpu.matmul %get3A_7, %slice3A_98, %dot_general3A_99 {dimension_numbers = #tpu.dot_dimension_numbers<[1], [0], [0], [1], [0, 0, 1, 1], [], []>, transpose_lhs_hint = false} : vector<1280x16xf32>, vector<16x128xf32>, vector<1280x128xf32> -> vector<1280x128xf32>
    %add3A_101 = arith.addf %add3A_97, %dot_general3A_100 : vector<1280x128xf32>
    %add3A_102 = arith.addf %add3A_87, %add3A_101 : vector<1280x128xf32>
    %get3A_103 = arith.constant 0 : index
    %get3A_104 = arith.constant 0 : index
    %get3A_105 = vector.load %arg16[%get3A_103, %get3A_104] : memref<1x128xf32, #tpu.memory_space<vmem>>, vector<1x128xf32>
    %add3A_106 = vector.broadcast %get3A_105 : vector<1x128xf32> to vector<1280x128xf32>
    %add3A_107 = arith.addf %add3A_102, %add3A_106 : vector<1280x128xf32>
    %get3A_108 = arith.constant 0 : index
    %get3A_109 = arith.constant 0 : index
    %get3A_110 = vector.load %arg4[%get3A_108, %get3A_109] : memref<1x128xf32, #tpu.memory_space<vmem>>, vector<1x128xf32>
    %mul3A = arith.constant 2.500000e-01 : f32
    %mul3A_111 = vector.broadcast %mul3A : f32 to vector<1x128xf32>
    %mul3A_112 = arith.mulf %get3A_110, %mul3A_111 : vector<1x128xf32>
    %mul3A_113 = vector.broadcast %mul3A_112 : vector<1x128xf32> to vector<1280x128xf32>
    %mul3A_114 = arith.mulf %add3A_55, %mul3A_113 : vector<1280x128xf32>
    %iota3A = tpu.iota {dimensions = array<i32: 0>} : vector<128x8xi32>
    %iota3A_115 = tpu.iota {dimensions = array<i32: 1>} : vector<128x8xi32>
    %jit3A = arith.constant 16 : i32
    %div3A = vector.broadcast %jit3A : i32 to vector<128x8xi32>
    %div3A_116 = arith.divsi %iota3A, %div3A : vector<128x8xi32>
    %sign3A = arith.constant 0 : i32
    %sign3A_117 = vector.broadcast %sign3A : i32 to vector<128x8xi32>
    %sign3A_118 = arith.cmpi sgt, %iota3A, %sign3A_117 : vector<128x8xi32>
    %sign3A_119 = arith.extui %sign3A_118 : vector<128x8xi1> to vector<128x8xi32>
    %sign3A_120 = arith.constant 0 : i32
    %sign3A_121 = vector.broadcast %sign3A_120 : i32 to vector<128x8xi32>
    %sign3A_122 = arith.cmpi slt, %iota3A, %sign3A_121 : vector<128x8xi32>
    %sign3A_123 = arith.extui %sign3A_122 : vector<128x8xi1> to vector<128x8xi32>
    %sign3A_124 = arith.subi %sign3A_119, %sign3A_123 : vector<128x8xi32>
    %sign3A_125 = arith.constant 0 : i32
    %sign3A_126 = arith.cmpi sgt, %jit3A, %sign3A_125 : i32
    %sign3A_127 = arith.extui %sign3A_126 : i1 to i32
    %sign3A_128 = arith.constant 0 : i32
    %sign3A_129 = arith.cmpi slt, %jit3A, %sign3A_128 : i32
    %sign3A_130 = arith.extui %sign3A_129 : i1 to i32
    %sign3A_131 = arith.subi %sign3A_127, %sign3A_130 : i32
    %ne3A = vector.broadcast %sign3A_131 : i32 to vector<128x8xi32>
    %ne3A_132 = arith.cmpi ne, %sign3A_124, %ne3A : vector<128x8xi32>
    %rem3A = vector.broadcast %jit3A : i32 to vector<128x8xi32>
    %rem3A_133 = arith.remsi %iota3A, %rem3A : vector<128x8xi32>
    %ne3A_134 = arith.constant 0 : i32
    %ne3A_135 = vector.broadcast %ne3A_134 : i32 to vector<128x8xi32>
    %ne3A_136 = arith.cmpi ne, %rem3A_133, %ne3A_135 : vector<128x8xi32>
    %and3A = arith.andi %ne3A_132, %ne3A_136 : vector<128x8xi1>
    %sub3A = arith.constant 1 : i32
    %sub3A_137 = vector.broadcast %sub3A : i32 to vector<128x8xi32>
    %sub3A_138 = arith.subi %div3A_116, %sub3A_137 : vector<128x8xi32>
    %select_n3A = arith.select %and3A, %sub3A_138, %div3A_116 : vector<128x8xi1>, vector<128x8xi32>
    %eq3A = arith.cmpi eq, %select_n3A, %iota3A_115 : vector<128x8xi32>
    %jit3A_139 = arith.constant 1.000000e+00 : f32
    %jit3A_140 = arith.constant 0.000000e+00 : f32
    %broadcast_in_dim3A = vector.broadcast %jit3A_139 : f32 to vector<128x8xf32>
    %broadcast_in_dim3A_141 = vector.broadcast %jit3A_140 : f32 to vector<128x8xf32>
    %select_n3A_142 = arith.select %eq3A, %broadcast_in_dim3A, %broadcast_in_dim3A_141 : vector<128x8xi1>, vector<128x8xf32>
    %dot_general3A_143 = arith.constant dense<0.000000e+00> : vector<1280x8xf32>
    %dot_general3A_144 = tpu.matmul %mul3A_114, %select_n3A_142, %dot_general3A_143 {dimension_numbers = #tpu.dot_dimension_numbers<[1], [0], [0], [1], [0, 0, 1, 1], [], []>, transpose_lhs_hint = false} : vector<1280x128xf32>, vector<128x8xf32>, vector<1280x8xf32> -> vector<1280x8xf32>
    %exp3A = math.exp %dot_general3A_144 : vector<1280x8xf32>
    %iota3A_145 = tpu.iota {dimensions = array<i32: 0>} : vector<8x128xi32>
    %iota3A_146 = tpu.iota {dimensions = array<i32: 1>} : vector<8x128xi32>
    %jit3A_147 = arith.constant 16 : i32
    %div3A_148 = vector.broadcast %jit3A_147 : i32 to vector<8x128xi32>
    %div3A_149 = arith.divsi %iota3A_146, %div3A_148 : vector<8x128xi32>
    %sign3A_150 = arith.constant 0 : i32
    %sign3A_151 = vector.broadcast %sign3A_150 : i32 to vector<8x128xi32>
    %sign3A_152 = arith.cmpi sgt, %iota3A_146, %sign3A_151 : vector<8x128xi32>
    %sign3A_153 = arith.extui %sign3A_152 : vector<8x128xi1> to vector<8x128xi32>
    %sign3A_154 = arith.constant 0 : i32
    %sign3A_155 = vector.broadcast %sign3A_154 : i32 to vector<8x128xi32>
    %sign3A_156 = arith.cmpi slt, %iota3A_146, %sign3A_155 : vector<8x128xi32>
    %sign3A_157 = arith.extui %sign3A_156 : vector<8x128xi1> to vector<8x128xi32>
    %sign3A_158 = arith.subi %sign3A_153, %sign3A_157 : vector<8x128xi32>
    %sign3A_159 = arith.constant 0 : i32
    %sign3A_160 = arith.cmpi sgt, %jit3A_147, %sign3A_159 : i32
    %sign3A_161 = arith.extui %sign3A_160 : i1 to i32
    %sign3A_162 = arith.constant 0 : i32
    %sign3A_163 = arith.cmpi slt, %jit3A_147, %sign3A_162 : i32
    %sign3A_164 = arith.extui %sign3A_163 : i1 to i32
    %sign3A_165 = arith.subi %sign3A_161, %sign3A_164 : i32
    %ne3A_166 = vector.broadcast %sign3A_165 : i32 to vector<8x128xi32>
    %ne3A_167 = arith.cmpi ne, %sign3A_158, %ne3A_166 : vector<8x128xi32>
    %rem3A_168 = vector.broadcast %jit3A_147 : i32 to vector<8x128xi32>
    %rem3A_169 = arith.remsi %iota3A_146, %rem3A_168 : vector<8x128xi32>
    %ne3A_170 = arith.constant 0 : i32
    %ne3A_171 = vector.broadcast %ne3A_170 : i32 to vector<8x128xi32>
    %ne3A_172 = arith.cmpi ne, %rem3A_169, %ne3A_171 : vector<8x128xi32>
    %and3A_173 = arith.andi %ne3A_167, %ne3A_172 : vector<8x128xi1>
    %sub3A_174 = arith.constant 1 : i32
    %sub3A_175 = vector.broadcast %sub3A_174 : i32 to vector<8x128xi32>
    %sub3A_176 = arith.subi %div3A_149, %sub3A_175 : vector<8x128xi32>
    %select_n3A_177 = arith.select %and3A_173, %sub3A_176, %div3A_149 : vector<8x128xi1>, vector<8x128xi32>
    %eq3A_178 = arith.cmpi eq, %select_n3A_177, %iota3A_145 : vector<8x128xi32>
    %jit3A_179 = arith.constant 1.000000e+00 : f32
    %jit3A_180 = arith.constant 0.000000e+00 : f32
    %broadcast_in_dim3A_181 = vector.broadcast %jit3A_179 : f32 to vector<8x128xf32>
    %broadcast_in_dim3A_182 = vector.broadcast %jit3A_180 : f32 to vector<8x128xf32>
    %select_n3A_183 = arith.select %eq3A_178, %broadcast_in_dim3A_181, %broadcast_in_dim3A_182 : vector<8x128xi1>, vector<8x128xf32>
    %dot_general3A_184 = arith.constant dense<0.000000e+00> : vector<1280x128xf32>
    %dot_general3A_185 = tpu.matmul %exp3A, %select_n3A_183, %dot_general3A_184 {dimension_numbers = #tpu.dot_dimension_numbers<[1], [0], [0], [1], [0, 0, 1, 1], [], []>, transpose_lhs_hint = false} : vector<1280x8xf32>, vector<8x128xf32>, vector<1280x128xf32> -> vector<1280x128xf32>
    %mul3A_186 = arith.mulf %dot_general3A_185, %add3A_107 : vector<1280x128xf32>
    %swap3A = arith.constant 0 : index
    %swap3A_187 = arith.constant 0 : index
    %swap3A_188 = vector.load %arg17[%swap3A, %swap3A_187] : memref<1280x128xf32, #tpu.memory_space<vmem>>, vector<1280x128xf32>
    tpu.vector_store %arg17[%swap3A, %swap3A_187], %mul3A_186 {strides = array<i32>} : memref<1280x128xf32, #tpu.memory_space<vmem>>, vector<1280x128xf32>,
    %swap3A_189 = arith.constant 0 : index
    %swap3A_190 = arith.constant 0 : index
    %swap3A_191 = vector.load %arg18[%swap3A_189, %swap3A_190] : memref<1280x128xf32, #tpu.memory_space<vmem>>, vector<1280x128xf32>
    tpu.vector_store %arg18[%swap3A_189, %swap3A_190], %dot_general3A_185 {strides = array<i32>} : memref<1280x128xf32, #tpu.memory_space<vmem>>, vector<1280x128xf32>,
    return
  }
  func.func @transform_0(%arg0: i32) -> (i32, i32) {
    %c0_i32 = arith.constant 0 : i32
    %c0_i32_0 = arith.constant 0 : i32
    return %arg0, %c0_i32 : i32, i32
  }
  func.func @transform_1(%arg0: i32) -> (i32, i32) {
    %c0_i32 = arith.constant 0 : i32
    %c0_i32_0 = arith.constant 0 : i32
    return %arg0, %c0_i32 : i32, i32
  }
  func.func @transform_2(%arg0: i32) -> (i32, i32) {
    %c0_i32 = arith.constant 0 : i32
    %c0_i32_0 = arith.constant 0 : i32
    return %arg0, %c0_i32 : i32, i32
  }
  func.func @transform_3(%arg0: i32) -> (i32, i32) {
    %c0_i32 = arith.constant 0 : i32
    %c0_i32_0 = arith.constant 0 : i32
    %c0_i32_1 = arith.constant 0 : i32
    return %c0_i32, %c0_i32_0 : i32, i32
  }
  func.func @transform_4(%arg0: i32) -> (i32, i32) {
    %c0_i32 = arith.constant 0 : i32
    %c0_i32_0 = arith.constant 0 : i32
    %c0_i32_1 = arith.constant 0 : i32
    return %c0_i32, %c0_i32_0 : i32, i32
  }
  func.func @transform_5(%arg0: i32) -> (i32, i32) {
    %c0_i32 = arith.constant 0 : i32
    %c0_i32_0 = arith.constant 0 : i32
    %c0_i32_1 = arith.constant 0 : i32
    return %c0_i32, %c0_i32_0 : i32, i32
  }
  func.func @transform_6(%arg0: i32) -> (i32, i32) {
    %c0_i32 = arith.constant 0 : i32
    %c0_i32_0 = arith.constant 0 : i32
    %c0_i32_1 = arith.constant 0 : i32
    return %c0_i32, %c0_i32_0 : i32, i32
  }
  func.func @transform_7(%arg0: i32) -> (i32, i32) {
    %c0_i32 = arith.constant 0 : i32
    %c0_i32_0 = arith.constant 0 : i32
    %c0_i32_1 = arith.constant 0 : i32
    return %c0_i32, %c0_i32_0 : i32, i32
  }
  func.func @transform_8(%arg0: i32) -> (i32, i32) {
    %c0_i32 = arith.constant 0 : i32
    %c0_i32_0 = arith.constant 0 : i32
    %c0_i32_1 = arith.constant 0 : i32
    return %c0_i32, %c0_i32_0 : i32, i32
  }
  func.func @transform_9(%arg0: i32) -> (i32, i32) {
    %c0_i32 = arith.constant 0 : i32
    %c0_i32_0 = arith.constant 0 : i32
    %c0_i32_1 = arith.constant 0 : i32
    return %c0_i32, %c0_i32_0 : i32, i32
  }
  func.func @transform_10(%arg0: i32) -> (i32, i32) {
    %c0_i32 = arith.constant 0 : i32
    %c0_i32_0 = arith.constant 0 : i32
    %c0_i32_1 = arith.constant 0 : i32
    return %c0_i32, %c0_i32_0 : i32, i32
  }
  func.func @transform_11(%arg0: i32) -> (i32, i32) {
    %c0_i32 = arith.constant 0 : i32
    %c0_i32_0 = arith.constant 0 : i32
    %c0_i32_1 = arith.constant 0 : i32
    return %c0_i32, %c0_i32_0 : i32, i32
  }
  func.func @transform_12(%arg0: i32) -> (i32, i32) {
    %c0_i32 = arith.constant 0 : i32
    %c0_i32_0 = arith.constant 0 : i32
    %c0_i32_1 = arith.constant 0 : i32
    return %c0_i32, %c0_i32_0 : i32, i32
  }
  func.func @transform_13(%arg0: i32) -> (i32, i32) {
    %c0_i32 = arith.constant 0 : i32
    %c0_i32_0 = arith.constant 0 : i32
    %c0_i32_1 = arith.constant 0 : i32
    return %c0_i32, %c0_i32_0 : i32, i32
  }
  func.func @transform_14(%arg0: i32) -> (i32, i32) {
    %c0_i32 = arith.constant 0 : i32
    %c0_i32_0 = arith.constant 0 : i32
    %c0_i32_1 = arith.constant 0 : i32
    return %c0_i32, %c0_i32_0 : i32, i32
  }
  func.func @transform_15(%arg0: i32) -> (i32, i32) {
    %c0_i32 = arith.constant 0 : i32
    %c0_i32_0 = arith.constant 0 : i32
    %c0_i32_1 = arith.constant 0 : i32
    return %c0_i32, %c0_i32_0 : i32, i32
  }
  func.func @transform_16(%arg0: i32) -> (i32, i32) {
    %c0_i32 = arith.constant 0 : i32
    %c0_i32_0 = arith.constant 0 : i32
    return %arg0, %c0_i32 : i32, i32
  }
  func.func @transform_17(%arg0: i32) -> (i32, i32) {
    %c0_i32 = arith.constant 0 : i32
    %c0_i32_0 = arith.constant 0 : i32
    return %arg0, %c0_i32 : i32, i32
  }
}

module attributes {stable_mosaic.version = 14 : i64} {
  func.func @_combine_body(%arg0: i32, %arg1: i32, %arg2: memref<1x640x128xf32, #tpu.memory_space<vmem>>, %arg3: memref<1x640x128xf32, #tpu.memory_space<vmem>>, %arg4: memref<640x128xf32, #tpu.memory_space<vmem>>) attributes {dimension_semantics = [#tpu.dimension_semantics<arbitrary>, #tpu.dimension_semantics<arbitrary>], iteration_bounds = array<i64: 2, 8>, scalar_prefetch = 0 : i64, scratch_operands = 0 : i64, tpu.core_type = #tpu.core_type<tc>, window_params = [{transform_indices = @transform_0, window_bounds = array<i64: 1, 640, 128>}, {transform_indices = @transform_1, window_bounds = array<i64: 1, 640, 128>}, {transform_indices = @transform_2, window_bounds = array<i64: 640, 128>}]} {
    %get3A = arith.constant 0 : index
    %get3A_0 = arith.constant 0 : index
    %get3A_1 = arith.constant 0 : index
    %get3A_2 = vector.load %arg2[%get3A, %get3A_0, %get3A_1] : memref<1x640x128xf32, #tpu.memory_space<vmem>>, vector<1x640x128xf32>
    %get3A_3 = vector.shape_cast %get3A_2 : vector<1x640x128xf32> to vector<640x128xf32>
    %get3A_4 = arith.constant 0 : index
    %get3A_5 = arith.constant 0 : index
    %get3A_6 = arith.constant 0 : index
    %get3A_7 = vector.load %arg3[%get3A_4, %get3A_5, %get3A_6] : memref<1x640x128xf32, #tpu.memory_space<vmem>>, vector<1x640x128xf32>
    %get3A_8 = vector.shape_cast %get3A_7 : vector<1x640x128xf32> to vector<640x128xf32>
    %add3A = arith.constant 1.000000e-16 : f32
    %add3A_9 = vector.broadcast %add3A : f32 to vector<640x128xf32>
    %add3A_10 = arith.addf %get3A_8, %add3A_9 : vector<640x128xf32>
    %div3A = arith.divf %get3A_3, %add3A_10 : vector<640x128xf32>
    %swap3A = arith.constant 0 : index
    %swap3A_11 = arith.constant 0 : index
    %swap3A_12 = vector.load %arg4[%swap3A, %swap3A_11] : memref<640x128xf32, #tpu.memory_space<vmem>>, vector<640x128xf32>
    tpu.vector_store %arg4[%swap3A, %swap3A_11], %div3A {strides = array<i32>} : memref<640x128xf32, #tpu.memory_space<vmem>>, vector<640x128xf32>,
    return
  }
  func.func @transform_0(%arg0: i32, %arg1: i32) -> (i32, i32, i32) {
    %c0_i32 = arith.constant 0 : i32
    %c0_i32_0 = arith.constant 0 : i32
    return %arg0, %arg1, %c0_i32 : i32, i32, i32
  }
  func.func @transform_1(%arg0: i32, %arg1: i32) -> (i32, i32, i32) {
    %c0_i32 = arith.constant 0 : i32
    %c0_i32_0 = arith.constant 0 : i32
    return %arg0, %arg1, %c0_i32 : i32, i32, i32
  }
  func.func @transform_2(%arg0: i32, %arg1: i32) -> (i32, i32) {
    %mul3A = arith.constant 8 : i32
    %mul3A_0 = arith.muli %arg0, %mul3A : i32
    %add3A = arith.addi %mul3A_0, %arg1 : i32
    %c0_i32 = arith.constant 0 : i32
    %c0_i32_1 = arith.constant 0 : i32
    return %add3A, %c0_i32 : i32, i32
  }
}

</mosaic_0001>

<sc_bundles>
// kernel: kernel.6.cloned.1.call-start
scs
__scs_entry_jumppad:
0x0: {  	(pc) =	sbr.rel $0x88, $3  }
0x1: {  	(tag) =	ssettag $0x0;
	lr =	simm.s32 $0x1  }
0x2: {  	[smem:$0x3F90] =	sst lr;
	_ =	strace $0xD0000000  }
0x3: {  	_ = 	snop  }
0x4: {  	_ = 	snop  }
0x5: {  	_ = 	snop  }
0x6: {  	_ = 	snop  }
0x7: {  	_ = 	snop  }
__scs_overlays_trampoline_lowered:
0x8: {  	[smem:$0x3F9F] =	sst s0  }
0x9: {  	[smem:$0x3FA0] =	sst s1  }
0xa: {  	[smem:$0x3FA1] =	sst s2  }
0xb: {  	[smem:$0x3FA2] =	sst s3  }
0xc: {  	[smem:$0x3FA3] =	sst s4  }
0xd: {  	[smem:$0x3FA4] =	sst s5  }
0xe: {  	[smem:$0x3FA5] =	sst s6  }
0xf: {  	[smem:$0x3FA6] =	sst s7  }
0x10: {  	[smem:$0x3FA7] =	sst s8  }
0x11: {  	[smem:$0x3FA8] =	sst s9;
	s0 =	simm.s32 @!p0 $0x0  }
0x12: {  	s1 =	sld [smem:$0x3F8E];
	s0 =	simm.s32 @p0 $0x1  }
0x13: {  	[smem:$0x3FA9] =	sst s0;
	s0 =	simm.s32 @!p1 $0x0  }
0x14: {  	s2 =	sld [smem:$0x3F8D];
	s0 =	simm.s32 @p1 $0x1  }
0x15: {  	[smem:$0x3FAA] =	sst s0;
	s0 =	simm.s32 @!p2 $0x0  }
0x16: {  	s3 =	sld [smem:$0x3FDB];
	s0 =	simm.s32 @p2 $0x1  }
0x17: {  	s4 =	simm.s32 $0x1BF5;
	[smem:$0x3FAC] =	sst s0  }
0x18: {  	s0 =	sld [smem:$0x3F8F];
	_ =	swait.ge [sflag:s4], $0x0  }
0x19: {  	s7 =	sld [smem:$0x3F90]  }
0x1a: {  	s8 =	sadd.s32 $0xFFFFE003, lr  }
0x1b: {  	s9 =	sadd.s32 $0xFFFFFEF7, lr;
	s5 =	simm.s32 $0xFFFFFFFF;
	p2 =	slt.u32 s8, $0xFFFFF086  }
0x1c: {  	p1 =	slt.u32 s9, $0xF7A;
	s5 =	simm.s32 @!p2 $0x0  }
0x1d: {  	s5 =	simm.s32 @p1 $0x1;
	p0 =	seq.s32 s7, s2  }
0x1e: {  	s7 =	smul.u32 @!p0 $0xF7A, s2;
	p2 =	seq.s32 @!p0 s5, $0x0  }
0x1f: {  	s9 =	smul.u32 $0xF7A, s1;
	s8 =	simm.s32 @!p0 $0x1BF5;
	p2 =	por !p2, p0  }
0x20: {  	[sflag:s8] =	ssyncset.s32 @!p0 $0xFFFFF086;
	s6 =	sadd.s32 @!p0 s3, s7;
	s7 =	simm.s32 @!p0 $0x108  }
0x21: {  	s3 =	sadd.s32 s3, s9;
	s6 =	sadd.s32 @!p0 $0x88, s6;
	s7 =	simm.s32 @p2 $0x1082  }
0x22: {  	[simem:s7], [sflag:s8] =	dma.local @!p0 [hbm:s6], $0xF7A  }
0x23: {  	s9 =	sor.u32 $0xD0000000, s2;
	s6 =	simm.s32 $0x108;
	_ =	swait.ge @!p0 [sflag:s8], $0x0  }
0x24: {  	s3 =	sadd.s32 $0x88, s3;
	s6 =	simm.s32 @!p1 $0x1082;
	[sflag:s4] =	ssyncset.s32 $0xFFFFF086  }
0x25: {  	[simem:s6], [sflag:s4] =	dma.local [hbm:s3], $0xF7A  }
0x26: {  	[smem:$0x3F90] =	sst s1;
	(tag) =	ssettag s2;
	_ =	strace s9  }
0x27: {  	s1 =	sld [smem:$0x3FA0]  }
0x28: {  	s2 =	sld [smem:$0x3FA1]  }
0x29: {  	s4 =	sld [smem:$0x3FA3]  }
0x2a: {  	p0 =	seq.s32 s5, $0x0;
	s5 =	sld [smem:$0x3FA4]  }
0x2b: {  	s6 =	sld [smem:$0x3FA5]  }
0x2c: {  	s7 =	sld [smem:$0x3FA6]  }
0x2d: {  	s3 =	simm.s32 $0x108;
	s8 =	sld [smem:$0x3FA7]  }
0x2e: {  	s3 =	simm.s32 @!p0 $0x1082;
	s9 =	sld [smem:$0x3FA8]  }
0x2f: {  	lr =	sadd.s32 s0, s3;
	s0 =	sld [smem:$0x3F9F]  }
0x30: {  	s3 =	sld [smem:$0x3FA2]  }
0x31: {  	[smem:$0x3FAB] =	sst s10  }
0x32: {  	s10 =	sld [smem:$0x3FA9];
	_ =	sdelay $0x3  }
0x33: {  	p0 =	seq.s32 s10, $0x1;
	s10 =	sld [smem:$0x3FAB];
	_ =	sdelay $0x3  }
0x34: {  	[smem:$0x3FAB] =	sst s10  }
0x35: {  	s10 =	sld [smem:$0x3FAA];
	_ =	sdelay $0x3  }
0x36: {  	p1 =	seq.s32 s10, $0x1;
	s10 =	sld [smem:$0x3FAB];
	_ =	sdelay $0x3  }
0x37: {  	[smem:$0x3FAB] =	sst s10  }
0x38: {  	s10 =	sld [smem:$0x3FAC]  }
0x39: {  	_ = 	snop;
	(pc) =	sbr.ind lr, $3  }
0x3a: {  	_ = 	snop  }
0x3b: {  	_ = 	snop  }
0x3c: {  	p2 =	seq.s32 s10, $0x1;
	s10 =	sld [smem:$0x3FAB]  }
0x3d: {  	_ =	shalt  }
0x3e: {  	_ =	shalt  }
0x3f: {  	_ =	shalt  }
0x40: {  	_ =	shalt  }
0x41: {  	_ =	shalt  }
0x42: {  	_ =	shalt  }
0x43: {  	_ =	shalt  }
0x44: {  	_ =	shalt  }
0x45: {  	_ =	shalt  }
0x46: {  	_ =	shalt  }
0x47: {  	_ =	shalt  }
0x48: {  	_ =	shalt  }
0x49: {  	_ =	shalt  }
0x4a: {  	_ =	shalt  }
0x4b: {  	_ =	shalt  }
0x4c: {  	_ =	shalt  }
0x4d: {  	_ =	shalt  }
0x4e: {  	_ =	shalt  }
0x4f: {  	_ =	shalt  }
0x50: {  	_ =	shalt  }
0x51: {  	_ =	shalt  }
0x52: {  	_ =	shalt  }
0x53: {  	_ =	shalt  }
0x54: {  	_ =	shalt  }
0x55: {  	_ =	shalt  }
0x56: {  	_ =	shalt  }
0x57: {  	_ =	shalt  }
0x58: {  	_ =	shalt  }
0x59: {  	_ =	shalt  }
0x5a: {  	_ =	shalt  }
0x5b: {  	_ =	shalt  }
0x5c: {  	_ =	shalt  }
0x5d: {  	_ =	shalt  }
0x5e: {  	_ =	shalt  }
0x5f: {  	_ =	shalt  }
0x60: {  	_ =	shalt  }
0x61: {  	_ =	shalt  }
0x62: {  	_ =	shalt  }
0x63: {  	_ =	shalt  }
0x64: {  	_ =	shalt  }
0x65: {  	_ =	shalt  }
0x66: {  	_ =	shalt  }
0x67: {  	_ =	shalt  }
0x68: {  	_ =	shalt  }
0x69: {  	_ =	shalt  }
0x6a: {  	_ =	shalt  }
0x6b: {  	_ =	shalt  }
0x6c: {  	_ =	shalt  }
0x6d: {  	_ =	shalt  }
0x6e: {  	_ =	shalt  }
0x6f: {  	_ =	shalt  }
0x70: {  	_ =	shalt  }
0x71: {  	_ =	shalt  }
0x72: {  	_ =	shalt  }
0x73: {  	_ =	shalt  }
0x74: {  	_ =	shalt  }
0x75: {  	_ =	shalt  }
0x76: {  	_ =	shalt  }
0x77: {  	_ =	shalt  }
0x78: {  	_ =	shalt  }
0x79: {  	_ =	shalt  }
0x7a: {  	_ =	shalt  }
0x7b: {  	_ =	shalt  }
0x7c: {  	_ =	shalt  }
0x7d: {  	_ =	shalt  }
0x7e: {  	_ =	shalt  }
0x7f: {  	_ =	shalt  }
0x80: {  	_ =	shalt  }
0x81: {  	_ =	shalt  }
0x82: {  	_ =	shalt  }
0x83: {  	_ =	shalt  }
0x84: {  	_ =	shalt  }
0x85: {  	_ =	shalt  }
0x86: {  	_ =	shalt  }
0x87: {  	_ =	shalt  }
.Lfunc_end0:
.L_simem_size_0:
called_computation_lowered:
.L_overlay_start_0:
0x88: {  	s2 =	sld [smem:$0x3FD9]  }
0x89: {  	s3 =	sld [smem:$0x3FFE];
	_ =	sdelay $0x1  }
0x8a: {  	s1 =	srdreg.scid  }
0x8b: {  	s0 =	sand.u32 $0x1, s1  }
0x8c: {  	s17 =	sshll.u32 s0, $0xA;
	s2 =	sadd.s32 s3, s2  }
0x8d: {  	s2 =	sadd.s32 s2, s17  }
0x8e: {  	[smem:$0x3FB7] =	sst s2  }
0x8f: {  	_ = 	snop  }
0x90: {  	s2 =	sld [smem:$0x3FD0];
	(tm) =	ssettm $0x1  }
0x91: {  	s18 =	sld [smem:$0x3FFB];
	_ =	sdelay $0x3  }
0x92: {  	_ =	strace s18  }
0x93: {  	s3 =	sld [smem:$0x3FFC];
	_ =	sdelay $0x3  }
0x94: {  	_ =	strace s3  }
0x95: {  	s3 =	sld [smem:$0x3FFD];
	_ =	sdelay $0x3  }
0x96: {  	_ =	strace s3  }
0x97: {  	_ =	strace $0x8FFFFFFF  }
0x98: {  	s19 =	sld [smem:$0x3FDB];
	_ =	sdelay $0x1  }
0x99: {  	s4 =	simm.s32 $_scs_section_size  }
0x9a: {  	s5 =	simm.s32 $_size__tile_overlayer_lowered;
	s6 =	simm.s32 $_tile_overlayer_lowered  }
0x9b: {  	s22 =	simm.s32 $0x1BFF;
	s21 =	sshll.u32 s6, $0x1;
	s3 =	sadd.s32 s4, s19  }
0x9c: {  	s7 =	simm.s32 $0x0;
	s20 =	sshll.u32 s5, $0x1;
	s5 =	sadd.s32 s21, s3  }
0x9d: {  	[timem:s7], [sflag:s22] =	dma.local [hbm:s5], s20  }
0x9e: {  	_ =	swait.ge [sflag:s22], s20  }
0x9f: {  	s4 =	ssub.s32 $0x0, s20;
	[sflag:s22] =	ssyncset.done $0x0  }
0xa0: {  	[sflag:s22] =	ssyncadd.s32 s4;
	_ =	sdelay $0x1  }
0xa1: {  	s23 =	simm.s32 $0x1B8B  }
0xa2: {  	_ =	swait.ge [sflag:s23], $0x1  }
0xa3: {  	[sflag:s23] =	ssyncset.done $0x0  }
0xa4: {  	s25 =	simm.s32 $0x1B8E;
	s24 =	sld [smem:$0x3FFE];
	[sflag:s23] =	ssyncadd.s32 $0xFFFFFFFF  }
0xa5: {  	s26 =	simm.s32 $execute0_lowered;
	[smem:$0x3FD2] =	sst s25  }
0xa6: {  	s5 =	sshll.u32 s26, $0x1;
	_ =	strace $0x80000046;
	[dreg:$0x1] =	wrdreg $0xFFFFFFFF  }
0xa7: {  	s28 =	simm.s32 $_size_execute0_lowered;
	s3 =	sadd.s32 s3, s5;
	[dreg:$0x0] =	wrdreg $0x0  }
0xa8: {  	s5 =	sshll.u32 s28, $0x1;
	[dreg:$0x2] =	wrdreg s3  }
0xa9: {  	[dreg:$0x3] =	wrdreg s5  }
0xaa: {  	[dreg:$0x4] =	wrdreg $0xC0  }
0xab: {  	_ =	task [dreg:s7], $0x5FFFF  }
0xac: {  	[dreg:$0x1] =	wrdreg $0xFFFFFFFF  }
0xad: {  	[dreg:$0x0] =	wrdreg $0x60  }
0xae: {  	[dreg:$0x2] =	wrdreg s24  }
0xaf: {  	[dreg:$0x3] =	wrdreg s2  }
0xb0: {  	[dreg:$0x4] =	wrdreg $0xA8000  }
0xb1: {  	[dreg:$0x5] =	wrdreg $0x9  }
0xb2: {  	_ =	task.clear_ibuf [dreg:s7], $0x6FFFF;
	_ =	strace $0x90000046  }
0xb3: {  	s29 =	simm.s32 $0x9;
	_ =	strace $0x80000048  }
0xb4: {  	_ =	swait.ge [sflag:s29], $0x1  }
0xb5: {  	[sflag:s29] =	ssyncadd.s32 $0xFFFFFFFF  }
0xb6: {  	_ =	strace $0x90000048  }
0xb7: {  	_ =	sfence  }
0xb8: {  	s30 =	sld [smem:$0x0];
	_ =	sdelay $0x2  }
0xb9: {  	s31 =	sshll.u32 s1, $0xD;
	s1 =	sshrl.u32 s1, $0x2  }
0xba: {  	s3 =	sand.u32 $0x4000, s31;
	s1 =	sadd.s32 s1, s30  }
0xbb: {  	s0 =	sor.u32 s3, s0;
	s1 =	sshll.u32 s1, $0x11  }
0xbc: {  	s0 =	sor.u32 s1, s0  }
0xbd: {  	s0 =	sadd.s32 $0x8F2B, s0  }
0xbe: {  	[sflag:s0] =	ssyncadd.remote.s32 $0x1  }
0xbf: {  	_ =	sfence.sel $0xFFFF  }
0xc0: {  	[dreg:$0x0] =	wrdreg $0xFFFFFFFF;
	(pc) =	sbr.abs _section_cstart, $3  }
0xc1: {  	[dreg:$0x1] =	wrdreg $0xFFFFFFFF  }
0xc2: {  	_ =	task.clear_ibuf [dreg:s7], $0x2FFFF;
	_ =	strace $0x9FFFFFFF  }
0xc3: {  	(tm) =	ssettm $0x7FFFFFFF  }
tec
execute0_lowered:
.L_overlay_start_1:
0x0: {  	(tag) =	ssettag $0x1  }
0x1: {  	s5 =	rddreg [dreg:$0x0]  }
0x2: {  	s6 =	rddreg [dreg:$0x1]  }
0x3: {  	s2 =	rddreg [dreg:$0x2]  }
0x4: {  	s0 =	rddreg [dreg:$0x3];
	s1 =	stileid.u32  }
0x5: {  	s3 =	simm.s32 $0x0;
	s7 =	srdreg.scid;
	s4 =	smul.u32 $0x4E200, s1  }
0x6: {  	[smem:$0x7FF] =	sst s3;
	s7 =	sand.u32 $0x1, s7;
	s11 =	smul.u32 $0x148, s1  }
0x7: {  	s16 =	sadd.s32 $0x3400, s5;
	s10 =	sshll.u32 s1, $0xC;
	s12 =	smul.u32 $0x29000, s1  }
0x8: {  	_ =	strace $0x80000047;
	s8 =	ssub.s32 $0x2, s7;
	s14 =	smul.u32 $0x1480, s7  }
0x9: {  	s7 =	sshll.u32 s7, $0x10;
	s6 =	sadd.s32 s6, s10;
	s17 =	sadd.s32 s4, s5  }
0xa: {  	s4 =	sadd.s32 $0x2E00, s5;
	s21 =	sshrl.u32 s8, $0x1;
	s22 =	sadd.s32 $0x140, s11  }
0xb: {  	s6 =	sadd.s32 s7, s6;
	s26 =	sshrl.u32 s12, $0x2;
	s15 =	sadd.s32 $0x50, s11  }
0xc: {  	s18 =	sadd.s32 $0xA0, s11;
	s19 =	sadd.s32 $0xF0, s11;
	s9 =	ssub.s32 s8, s21  }
0xd: {  	s23 =	sshll.u32 s22, $0x7;
	s24 =	sadd.s32 s14, s22;
	s8 =	sadd.s32 s26, s2  }
0xe: {  	s28 =	sshll.u32 s15, $0x7;
	s29 =	sshll.u32 s18, $0x7;
	s13 =	sshll.u32 s19, $0x7  }
0xf: {  	s20 =	sadd.s32 s14, s11;
	s15 =	sadd.s32 s14, s15;
	s18 =	sadd.s32 s14, s18  }
0x10: {  	s19 =	sadd.s32 s14, s19;
	s17 =	sadd.s32 $0x4E4E00, s17;
	s21 =	simm.s32 $0x0  }
0x11: {  	s5 =	sadd.s32 s23, s2;
	s25 =	sshll.u32 s24, $0x4;
	s9 =	smax.u32 s9, $0x1  }
0x12: {  	s10 =	sadd.s32 s28, s2;
	s11 =	sadd.s32 s29, s2;
	s12 =	sadd.s32 s13, s2  }
0x13: {  	s30 =	sshll.u32 s20, $0x4;
	s15 =	sshll.u32 s15, $0x4;
	s18 =	sshll.u32 s18, $0x4  }
0x14: {  	s31 =	sshll.u32 s19, $0x4;
	s19 =	simm.s32 $0x2800;
	s20 =	simm.s32 $0x50  }
0x15: {  	s7 =	sadd.s32 s16, s25;
	s13 =	sadd.s32 s16, s30;
	s14 =	sadd.s32 s16, s15  }
0x16: {  	s15 =	sadd.s32 s16, s18;
	s16 =	sadd.s32 s16, s31;
	s18 =	simm.s32 $0x1  }
.LBB2_1:
0x17: {  	[tilespmem:s3], [sflag:$0x1] =	stream.linear.gather [hbm4b:s4+s3], $0x2800, $0x38;
	[tilespmem:$0x14C00] =	vst v63  }
0x18: {  	_ =	swait.ge [sflag:s18], $0x2800  }
0x19: {  	[sflag:s18] =	ssyncset.done $0x0  }
0x1a: {  	[sflag:s18] =	ssyncadd.s32 $0xFFFFD800  }
0x1b: {  	[spmem:s8] =	stream.linear.scatter [tilespmem:s3], [sflag:$0x1], $0x2800, $0x38;
	[tilespmem:$0x14C00] =	vst v63  }
0x1c: {  	_ =	swait.ge [sflag:s18], $0x2800  }
0x1d: {  	[sflag:s18] =	ssyncset.done $0x0  }
0x1e: {  	[sflag:s18] =	ssyncadd.s32 $0xFFFFD800  }
0x1f: {  	[spmem:s10] =	stream.linear.scatter [tilespmem:s3], [sflag:$0x1], $0x2800, $0x38;
	[tilespmem:$0x14C00] =	vst v63  }
0x20: {  	_ =	swait.ge [sflag:s18], $0x2800  }
0x21: {  	[sflag:s18] =	ssyncset.done $0x0  }
0x22: {  	[sflag:s18] =	ssyncadd.s32 $0xFFFFD800  }
0x23: {  	[spmem:s11] =	stream.linear.scatter [tilespmem:s3], [sflag:$0x1], $0x2800, $0x38;
	[tilespmem:$0x14C00] =	vst v63  }
0x24: {  	_ =	swait.ge [sflag:s18], $0x2800  }
0x25: {  	[sflag:s18] =	ssyncset.done $0x0  }
0x26: {  	[sflag:s18] =	ssyncadd.s32 $0xFFFFD800  }
0x27: {  	[spmem:s12] =	stream.linear.scatter [tilespmem:s3], [sflag:$0x1], $0x2800, $0x38;
	[tilespmem:$0x14C00] =	vst v63  }
0x28: {  	_ =	swait.ge [sflag:s18], $0x2800  }
0x29: {  	[sflag:s18] =	ssyncset.done $0x0  }
0x2a: {  	[sflag:s18] =	ssyncadd.s32 $0xFFFFD800  }
0x2b: {  	[spmem:s5] =	stream.linear.scatter [tilespmem:s3], [sflag:$0x1], $0x400, $0x38;
	[tilespmem:$0x14C00] =	vst v63  }
0x2c: {  	_ =	swait.ge [sflag:s18], $0x400  }
0x2d: {  	[sflag:s18] =	ssyncset.done $0x0  }
0x2e: {  	[sflag:s18] =	ssyncadd.s32 $0xFFFFFC00  }
0x2f: {  	[tilespmem:s19], [sflag:$0x1] =	stream.linear.gather [hbm4b:s6+s3], $0x7D00, $0x38;
	[tilespmem:$0x14C00] =	vst v63  }
0x30: {  	_ =	swait.ge [sflag:s18], $0x7D00  }
0x31: {  	[sflag:s18] =	ssyncset.done $0x0  }
0x32: {  	[sflag:s18] =	ssyncadd.s32 $0xFFFF8300  }
0x33: {  	[bflag:$0x0] =	sbarrier.arrive $0xFFFF  }
0x34: {  	[tilespmem:s3], [sflag:$0x1] =	stream.linear.gather [hbm4b:s17+s3], $0x2800, $0x38;
	[tilespmem:$0x14C00] =	vst v63  }
0x35: {  	_ =	swait.ge [sflag:s18], $0x2800  }
0x36: {  	[sflag:s18] =	ssyncset.done $0x0  }
0x37: {  	s22 =	simm.s32 $0x2800;
	[sflag:s18] =	ssyncadd.s32 $0xFFFFD800  }
0x38: {  	[spmem:s2] =	stream.indirect.scatter.add.f32 [tilespmem:s3], [sflag:$0x1], $0x80, s22, s20, $0xb8;
	[tilespmem:$0x14C00] =	vst v63  }
0x39: {  	_ =	swait.ge [sflag:s18], $0x2800  }
0x3a: {  	s23 =	smov.u32 s17;
	s22 =	simm.s32 $0x200;
	[sflag:s18] =	ssyncset.done $0x0  }
.LBB2_2:
0x3b: {  	p0 =	sne.s32 s22, $0x1F200;
	[sflag:s18] =	ssyncadd.s32 $0xFFFFD800;
	s23 =	sadd.s32 $0x500, s23  }
0x3c: {  	[tilespmem:s3], [sflag:$0x1] =	stream.linear.gather [hbm4b:s23+s3], $0x2800, $0x38;
	[tilespmem:$0x14C00] =	vst v63  }
0x3d: {  	s24 =	smov.u32 s22;
	s22 =	sadd.s32 $0x200, s22;
	_ =	swait.ge [sflag:s18], $0x2800  }
.Ltmp0:
0x3e: {  	s24 =	sshra.s32 s24, $0x2;
	[sflag:s18] =	ssyncset.done $0x0;
	(pc) =	sbr.rel @p0 .LBB2_2-.Ltmp0, $4  }
0x3f: {  	s24 =	sadd.s32 $0x2800, s24;
	[sflag:s18] =	ssyncadd.s32 $0xFFFFD800  }
0x40: {  	[spmem:s2] =	stream.indirect.scatter.add.f32 [tilespmem:s3], [sflag:$0x1], $0x80, s24, s20, $0xb8;
	[tilespmem:$0x14C00] =	vst v63  }
0x41: {  	_ =	swait.ge [sflag:s18], $0x2800  }
0x42: {  	[sflag:s18] =	ssyncset.done $0x0  }
0x43: {  	[sflag:s18] =	ssyncadd.s32 $0xFFFFD800  }
0x44: {  	[bflag:$0x0] =	sbarrier.arrive $0xFFFF  }
0x45: {  	[tilespmem:s3], [sflag:$0x1] =	stream.linear.gather [spmem:s8], $0x2800, $0x38;
	[tilespmem:$0x14C00] =	vst v63  }
0x46: {  	_ =	swait.ge [sflag:s18], $0x2800  }
0x47: {  	[sflag:s18] =	ssyncset.done $0x0  }
0x48: {  	[sflag:s18] =	ssyncadd.s32 $0xFFFFD800  }
0x49: {  	[hbm4b:s13+s3] =	stream.linear.scatter [tilespmem:s3], [sflag:$0x1], $0x2800, $0x38;
	[tilespmem:$0x14C00] =	vst v63  }
0x4a: {  	_ =	swait.ge [sflag:s18], $0x2800  }
0x4b: {  	[sflag:s18] =	ssyncset.done $0x0  }
0x4c: {  	[sflag:s18] =	ssyncadd.s32 $0xFFFFD800  }
0x4d: {  	[tilespmem:s3], [sflag:$0x1] =	stream.linear.gather [spmem:s10], $0x2800, $0x38;
	[tilespmem:$0x14C00] =	vst v63  }
0x4e: {  	_ =	swait.ge [sflag:s18], $0x2800  }
0x4f: {  	[sflag:s18] =	ssyncset.done $0x0  }
0x50: {  	[sflag:s18] =	ssyncadd.s32 $0xFFFFD800  }
0x51: {  	[hbm4b:s14+s3] =	stream.linear.scatter [tilespmem:s3], [sflag:$0x1], $0x2800, $0x38;
	[tilespmem:$0x14C00] =	vst v63  }
0x52: {  	_ =	swait.ge [sflag:s18], $0x2800  }
0x53: {  	[sflag:s18] =	ssyncset.done $0x0  }
0x54: {  	[sflag:s18] =	ssyncadd.s32 $0xFFFFD800  }
0x55: {  	[tilespmem:s3], [sflag:$0x1] =	stream.linear.gather [spmem:s11], $0x2800, $0x38;
	[tilespmem:$0x14C00] =	vst v63  }
0x56: {  	_ =	swait.ge [sflag:s18], $0x2800  }
0x57: {  	[sflag:s18] =	ssyncset.done $0x0  }
0x58: {  	[sflag:s18] =	ssyncadd.s32 $0xFFFFD800  }
0x59: {  	[hbm4b:s15+s3] =	stream.linear.scatter [tilespmem:s3], [sflag:$0x1], $0x2800, $0x38;
	[tilespmem:$0x14C00] =	vst v63  }
0x5a: {  	_ =	swait.ge [sflag:s18], $0x2800  }
0x5b: {  	[sflag:s18] =	ssyncset.done $0x0  }
0x5c: {  	[sflag:s18] =	ssyncadd.s32 $0xFFFFD800  }
0x5d: {  	[tilespmem:s3], [sflag:$0x1] =	stream.linear.gather [spmem:s12], $0x2800, $0x38;
	[tilespmem:$0x14C00] =	vst v63  }
0x5e: {  	_ =	swait.ge [sflag:s18], $0x2800  }
0x5f: {  	[sflag:s18] =	ssyncset.done $0x0  }
0x60: {  	[sflag:s18] =	ssyncadd.s32 $0xFFFFD800  }
0x61: {  	[hbm4b:s16+s3] =	stream.linear.scatter [tilespmem:s3], [sflag:$0x1], $0x2800, $0x38;
	[tilespmem:$0x14C00] =	vst v63  }
0x62: {  	_ =	swait.ge [sflag:s18], $0x2800  }
0x63: {  	[sflag:s18] =	ssyncset.done $0x0  }
0x64: {  	[sflag:s18] =	ssyncadd.s32 $0xFFFFD800  }
0x65: {  	[tilespmem:s3], [sflag:$0x1] =	stream.linear.gather [spmem:s5], $0x400, $0x38;
	[tilespmem:$0x14C00] =	vst v63  }
0x66: {  	s21 =	sadd.s32 $0x1, s21;
	_ =	swait.ge [sflag:s18], $0x400  }
0x67: {  	p0 =	sne.s32 s21, s9;
	[sflag:s18] =	ssyncset.done $0x0  }
.Ltmp1:
0x68: {  	[sflag:s18] =	ssyncadd.s32 $0xFFFFFC00;
	(pc) =	sbr.rel @p0 .LBB2_1-.Ltmp1, $4  }
0x69: {  	[hbm4b:s7+s3] =	stream.linear.scatter [tilespmem:s3], [sflag:$0x1], $0x400, $0x38;
	[tilespmem:$0x14C00] =	vst v63  }
0x6a: {  	_ =	swait.ge [sflag:s18], $0x400  }
0x6b: {  	[sflag:s18] =	ssyncset.done $0x0  }
0x6c: {  	[sflag:s18] =	ssyncadd.s32 $0xFFFFFC00  }
0x6d: {  	_ =	sfence.sel $0x180000  }
0x6e: {  	[bflag:$0x0] =	sbarrier.arrive $0xFFFF  }
0x6f: {  	p0 =	sne.s32 s1, $0x0;
	_ =	strace $0x90000047  }
0x70: {  	s0 =	sadd.s32 @!p0 $0x100000, s0;
	[bflag:$0x2] =	sbarrier.arrive $0xFFFF  }
0x71: {  	[sflag:s0] =	ssyncadd.tile.s32 @!p0 $0x1;
	_ =	shalt  }
.Lfunc_end2:
_tile_overlayer_lowered:
.L_overlay_start_2:
0x72: {  	(tag) =	ssettag $0x2  }
0x73: {  	s0 =	rddreg [dreg:$0x0];
	s2 =	stileid.u32  }
0x74: {  	s1 =	rddreg [dreg:$0x1];
	p0 =	sne.s32 s2, $0x0  }
0x75: {  	s3 =	rddreg [dreg:$0x2];
	[bflag:$0x3] =	sbarrier.arrive $0xFFFF;
	s2 =	simm.s32 @!p0 $0x1C01  }
0x76: {  	[timem:s3], [sflag:s2] =	dma.local @!p0 [hbm:s0], s1  }
0x77: {  	s0 =	simm.s32 @!p0 $0x1  }
0x78: {  	_ =	swait.ge @!p0 [sflag:s0], s1  }
0x79: {  	s1 =	ssub.s32 @!p0 $0x0, s1;
	[sflag:s0] =	ssyncset.done @!p0 $0x0  }
0x7a: {  	[sflag:s0] =	ssyncadd.s32 @!p0 s1  }
0x7b: {  	[bflag:$0x3] =	sbarrier.arrive $0xFFFF  }
0x7c: {  	_ =	shalt  }

// kernel: kernel.9.cloned.1.call-start
scs
__scs_entry_jumppad:
0x0: {  	(pc) =	sbr.rel $0x88, $3  }
0x1: {  	(tag) =	ssettag $0x0;
	lr =	simm.s32 $0x1  }
0x2: {  	[smem:$0x3F90] =	sst lr;
	_ =	strace $0xD0000000  }
0x3: {  	_ = 	snop  }
0x4: {  	_ = 	snop  }
0x5: {  	_ = 	snop  }
0x6: {  	_ = 	snop  }
0x7: {  	_ = 	snop  }
__scs_overlays_trampoline_lowered:
0x8: {  	[smem:$0x3F9F] =	sst s0  }
0x9: {  	[smem:$0x3FA0] =	sst s1  }
0xa: {  	[smem:$0x3FA1] =	sst s2  }
0xb: {  	[smem:$0x3FA2] =	sst s3  }
0xc: {  	[smem:$0x3FA3] =	sst s4  }
0xd: {  	[smem:$0x3FA4] =	sst s5  }
0xe: {  	[smem:$0x3FA5] =	sst s6  }
0xf: {  	[smem:$0x3FA6] =	sst s7  }
0x10: {  	[smem:$0x3FA7] =	sst s8  }
0x11: {  	[smem:$0x3FA8] =	sst s9;
	s0 =	simm.s32 @!p0 $0x0  }
0x12: {  	s1 =	sld [smem:$0x3F8E];
	s0 =	simm.s32 @p0 $0x1  }
0x13: {  	[smem:$0x3FA9] =	sst s0;
	s0 =	simm.s32 @!p1 $0x0  }
0x14: {  	s2 =	sld [smem:$0x3F8D];
	s0 =	simm.s32 @p1 $0x1  }
0x15: {  	[smem:$0x3FAA] =	sst s0;
	s0 =	simm.s32 @!p2 $0x0  }
0x16: {  	s3 =	sld [smem:$0x3FDB];
	s0 =	simm.s32 @p2 $0x1  }
0x17: {  	s4 =	simm.s32 $0x1BF5;
	[smem:$0x3FAC] =	sst s0  }
0x18: {  	s0 =	sld [smem:$0x3F8F];
	_ =	swait.ge [sflag:s4], $0x0  }
0x19: {  	s7 =	sld [smem:$0x3F90]  }
0x1a: {  	s8 =	sadd.s32 $0xFFFFE003, lr  }
0x1b: {  	s9 =	sadd.s32 $0xFFFFFEF7, lr;
	s5 =	simm.s32 $0xFFFFFFFF;
	p2 =	slt.u32 s8, $0xFFFFF086  }
0x1c: {  	p1 =	slt.u32 s9, $0xF7A;
	s5 =	simm.s32 @!p2 $0x0  }
0x1d: {  	s5 =	simm.s32 @p1 $0x1;
	p0 =	seq.s32 s7, s2  }
0x1e: {  	s7 =	smul.u32 @!p0 $0xF7A, s2;
	p2 =	seq.s32 @!p0 s5, $0x0  }
0x1f: {  	s9 =	smul.u32 $0xF7A, s1;
	s8 =	simm.s32 @!p0 $0x1BF5;
	p2 =	por !p2, p0  }
0x20: {  	[sflag:s8] =	ssyncset.s32 @!p0 $0xFFFFF086;
	s6 =	sadd.s32 @!p0 s3, s7;
	s7 =	simm.s32 @!p0 $0x108  }
0x21: {  	s3 =	sadd.s32 s3, s9;
	s6 =	sadd.s32 @!p0 $0x88, s6;
	s7 =	simm.s32 @p2 $0x1082  }
0x22: {  	[simem:s7], [sflag:s8] =	dma.local @!p0 [hbm:s6], $0xF7A  }
0x23: {  	s9 =	sor.u32 $0xD0000000, s2;
	s6 =	simm.s32 $0x108;
	_ =	swait.ge @!p0 [sflag:s8], $0x0  }
0x24: {  	s3 =	sadd.s32 $0x88, s3;
	s6 =	simm.s32 @!p1 $0x1082;
	[sflag:s4] =	ssyncset.s32 $0xFFFFF086  }
0x25: {  	[simem:s6], [sflag:s4] =	dma.local [hbm:s3], $0xF7A  }
0x26: {  	[smem:$0x3F90] =	sst s1;
	(tag) =	ssettag s2;
	_ =	strace s9  }
0x27: {  	s1 =	sld [smem:$0x3FA0]  }
0x28: {  	s2 =	sld [smem:$0x3FA1]  }
0x29: {  	s4 =	sld [smem:$0x3FA3]  }
0x2a: {  	p0 =	seq.s32 s5, $0x0;
	s5 =	sld [smem:$0x3FA4]  }
0x2b: {  	s6 =	sld [smem:$0x3FA5]  }
0x2c: {  	s7 =	sld [smem:$0x3FA6]  }
0x2d: {  	s3 =	simm.s32 $0x108;
	s8 =	sld [smem:$0x3FA7]  }
0x2e: {  	s3 =	simm.s32 @!p0 $0x1082;
	s9 =	sld [smem:$0x3FA8]  }
0x2f: {  	lr =	sadd.s32 s0, s3;
	s0 =	sld [smem:$0x3F9F]  }
0x30: {  	s3 =	sld [smem:$0x3FA2]  }
0x31: {  	[smem:$0x3FAB] =	sst s10  }
0x32: {  	s10 =	sld [smem:$0x3FA9];
	_ =	sdelay $0x3  }
0x33: {  	p0 =	seq.s32 s10, $0x1;
	s10 =	sld [smem:$0x3FAB];
	_ =	sdelay $0x3  }
0x34: {  	[smem:$0x3FAB] =	sst s10  }
0x35: {  	s10 =	sld [smem:$0x3FAA];
	_ =	sdelay $0x3  }
0x36: {  	p1 =	seq.s32 s10, $0x1;
	s10 =	sld [smem:$0x3FAB];
	_ =	sdelay $0x3  }
0x37: {  	[smem:$0x3FAB] =	sst s10  }
0x38: {  	s10 =	sld [smem:$0x3FAC]  }
0x39: {  	_ = 	snop;
	(pc) =	sbr.ind lr, $3  }
0x3a: {  	_ = 	snop  }
0x3b: {  	_ = 	snop  }
0x3c: {  	p2 =	seq.s32 s10, $0x1;
	s10 =	sld [smem:$0x3FAB]  }
0x3d: {  	_ =	shalt  }
0x3e: {  	_ =	shalt  }
0x3f: {  	_ =	shalt  }
0x40: {  	_ =	shalt  }
0x41: {  	_ =	shalt  }
0x42: {  	_ =	shalt  }
0x43: {  	_ =	shalt  }
0x44: {  	_ =	shalt  }
0x45: {  	_ =	shalt  }
0x46: {  	_ =	shalt  }
0x47: {  	_ =	shalt  }
0x48: {  	_ =	shalt  }
0x49: {  	_ =	shalt  }
0x4a: {  	_ =	shalt  }
0x4b: {  	_ =	shalt  }
0x4c: {  	_ =	shalt  }
0x4d: {  	_ =	shalt  }
0x4e: {  	_ =	shalt  }
0x4f: {  	_ =	shalt  }
0x50: {  	_ =	shalt  }
0x51: {  	_ =	shalt  }
0x52: {  	_ =	shalt  }
0x53: {  	_ =	shalt  }
0x54: {  	_ =	shalt  }
0x55: {  	_ =	shalt  }
0x56: {  	_ =	shalt  }
0x57: {  	_ =	shalt  }
0x58: {  	_ =	shalt  }
0x59: {  	_ =	shalt  }
0x5a: {  	_ =	shalt  }
0x5b: {  	_ =	shalt  }
0x5c: {  	_ =	shalt  }
0x5d: {  	_ =	shalt  }
0x5e: {  	_ =	shalt  }
0x5f: {  	_ =	shalt  }
0x60: {  	_ =	shalt  }
0x61: {  	_ =	shalt  }
0x62: {  	_ =	shalt  }
0x63: {  	_ =	shalt  }
0x64: {  	_ =	shalt  }
0x65: {  	_ =	shalt  }
0x66: {  	_ =	shalt  }
0x67: {  	_ =	shalt  }
0x68: {  	_ =	shalt  }
0x69: {  	_ =	shalt  }
0x6a: {  	_ =	shalt  }
0x6b: {  	_ =	shalt  }
0x6c: {  	_ =	shalt  }
0x6d: {  	_ =	shalt  }
0x6e: {  	_ =	shalt  }
0x6f: {  	_ =	shalt  }
0x70: {  	_ =	shalt  }
0x71: {  	_ =	shalt  }
0x72: {  	_ =	shalt  }
0x73: {  	_ =	shalt  }
0x74: {  	_ =	shalt  }
0x75: {  	_ =	shalt  }
0x76: {  	_ =	shalt  }
0x77: {  	_ =	shalt  }
0x78: {  	_ =	shalt  }
0x79: {  	_ =	shalt  }
0x7a: {  	_ =	shalt  }
0x7b: {  	_ =	shalt  }
0x7c: {  	_ =	shalt  }
0x7d: {  	_ =	shalt  }
0x7e: {  	_ =	shalt  }
0x7f: {  	_ =	shalt  }
0x80: {  	_ =	shalt  }
0x81: {  	_ =	shalt  }
0x82: {  	_ =	shalt  }
0x83: {  	_ =	shalt  }
0x84: {  	_ =	shalt  }
0x85: {  	_ =	shalt  }
0x86: {  	_ =	shalt  }
0x87: {  	_ =	shalt  }
.Lfunc_end0:
.L_simem_size_0:
called_computation.1_lowered:
.L_overlay_start_0:
0x88: {  	s2 =	sld [smem:$0x3FD9]  }
0x89: {  	s3 =	sld [smem:$0x3FFE];
	_ =	sdelay $0x1  }
0x8a: {  	s1 =	srdreg.scid  }
0x8b: {  	s0 =	sand.u32 $0x1, s1  }
0x8c: {  	s17 =	sshll.u32 s0, $0xA;
	s2 =	sadd.s32 s3, s2  }
0x8d: {  	s2 =	sadd.s32 s2, s17  }
0x8e: {  	[smem:$0x3FB7] =	sst s2  }
0x8f: {  	_ = 	snop  }
0x90: {  	s18 =	sld [smem:$0x3FD0];
	(tm) =	ssettm $0x1  }
0x91: {  	s19 =	sld [smem:$0x3FFB];
	_ =	sdelay $0x3  }
0x92: {  	_ =	strace s19  }
0x93: {  	s2 =	sld [smem:$0x3FFC];
	_ =	sdelay $0x3  }
0x94: {  	_ =	strace s2  }
0x95: {  	s2 =	sld [smem:$0x3FFD];
	_ =	sdelay $0x3  }
0x96: {  	_ =	strace s2  }
0x97: {  	_ =	strace $0x8FFFFFFF  }
0x98: {  	s20 =	sld [smem:$0x3FDB];
	_ =	sdelay $0x1  }
0x99: {  	s4 =	simm.s32 $_scs_section_size  }
0x9a: {  	s5 =	simm.s32 $_size__tile_overlayer_lowered;
	s6 =	simm.s32 $_tile_overlayer_lowered  }
0x9b: {  	s7 =	simm.s32 $0x1BFF;
	s21 =	sshll.u32 s6, $0x1;
	s4 =	sadd.s32 s4, s20  }
0x9c: {  	s22 =	simm.s32 $0x0;
	s5 =	sshll.u32 s5, $0x1;
	s6 =	sadd.s32 s21, s4  }
0x9d: {  	[timem:s22], [sflag:s7] =	dma.local [hbm:s6], s5  }
0x9e: {  	_ =	swait.ge [sflag:s7], s5  }
0x9f: {  	s5 =	ssub.s32 $0x0, s5;
	[sflag:s7] =	ssyncset.done $0x0  }
0xa0: {  	[sflag:s7] =	ssyncadd.s32 s5;
	_ =	sdelay $0x1  }
0xa1: {  	s23 =	simm.s32 $0x1B8B  }
0xa2: {  	_ =	swait.ge [sflag:s23], $0x1  }
0xa3: {  	[sflag:s23] =	ssyncset.done $0x0  }
0xa4: {  	[sflag:s23] =	ssyncadd.s32 $0xFFFFFFFF  }
0xa5: {  	s5 =	sld [smem:$0x0]  }
0xa6: {  	s6 =	sand.u32 $0xFFFFFFFE, s1  }
0xa7: {  	p0 =	sne.s32 s1, s6  }
0xa8: {  	s6 =	sshll.u32 @p0 s6, $0xE  }
0xa9: {  	s6 =	sadd.s32 @p0 $0x11B8D, s6;
	s7 =	sshll.u32 @p0 s5, $0x11  }
0xaa: {  	s6 =	sor.u32 @p0 s7, s6  }
0xab: {  	[sflag:s6] =	ssyncadd.remote.s32 @p0 $0x1;
	_ =	sdelay $0x1  }
0xac: {  	s6 =	simm.s32 @p0 $0x1B8D  }
0xad: {  	_ =	swait.eq @p0 [sflag:s6], $0x1  }
0xae: {  	[sflag:s6] =	ssyncadd.s32 @p0 $0xFFFFFFFF  }
0xaf: {  	s7 =	sshll.u32 @!p0 s1, $0xE  }
0xb0: {  	s7 =	sor.u32 @!p0 $0x4000, s7;
	s6 =	simm.s32 @!p0 $0x1B8D  }
0xb1: {  	s5 =	sshll.u32 @!p0 s5, $0x11;
	s7 =	sadd.s32 @!p0 $0x11B8D, s7;
	_ =	swait.eq @!p0 [sflag:s6], $0x1  }
0xb2: {  	s5 =	sor.u32 @!p0 s5, s7;
	[sflag:s6] =	ssyncadd.s32 @!p0 $0xFFFFFFFF  }
0xb3: {  	s25 =	simm.s32 $0x1B8E;
	s24 =	sld [smem:$0x3FFE];
	[sflag:s5] =	ssyncadd.remote.s32 @!p0 $0x1  }
0xb4: {  	s26 =	simm.s32 $execute0_lowered;
	[smem:$0x3FD2] =	sst s25  }
0xb5: {  	s6 =	sshll.u32 s26, $0x1;
	_ =	strace $0x80000049;
	[dreg:$0x1] =	wrdreg $0xFFFFFFFF  }
0xb6: {  	s28 =	simm.s32 $_size_execute0_lowered;
	s4 =	sadd.s32 s4, s6;
	[dreg:$0x0] =	wrdreg $0x0  }
0xb7: {  	s6 =	sshll.u32 s28, $0x1;
	[dreg:$0x2] =	wrdreg s4  }
0xb8: {  	[dreg:$0x3] =	wrdreg s6  }
0xb9: {  	[dreg:$0x4] =	wrdreg $0xC0  }
0xba: {  	_ =	task [dreg:s22], $0x5FFFF  }
0xbb: {  	[dreg:$0x1] =	wrdreg $0xFFFFFFFF  }
0xbc: {  	[dreg:$0x0] =	wrdreg $0x60  }
0xbd: {  	[dreg:$0x2] =	wrdreg s24  }
0xbe: {  	[dreg:$0x3] =	wrdreg s18  }
0xbf: {  	[dreg:$0x4] =	wrdreg $0xA8000  }
0xc0: {  	[dreg:$0x5] =	wrdreg $0xA  }
0xc1: {  	_ =	task.clear_ibuf [dreg:s22], $0x6FFFF;
	_ =	strace $0x90000049  }
0xc2: {  	s29 =	simm.s32 $0xA;
	_ =	strace $0x8000004B  }
0xc3: {  	_ =	swait.ge [sflag:s29], $0x1  }
0xc4: {  	[sflag:s29] =	ssyncadd.s32 $0xFFFFFFFF  }
0xc5: {  	_ =	strace $0x9000004B  }
0xc6: {  	_ =	sfence  }
0xc7: {  	s30 =	sld [smem:$0x0];
	_ =	sdelay $0x2  }
0xc8: {  	s31 =	sshll.u32 s1, $0xD;
	s1 =	sshrl.u32 s1, $0x2  }
0xc9: {  	s4 =	sand.u32 $0x4000, s31;
	s1 =	sadd.s32 s1, s30  }
0xca: {  	s0 =	sor.u32 s4, s0;
	s1 =	sshll.u32 s1, $0x11  }
0xcb: {  	s0 =	sor.u32 s1, s0  }
0xcc: {  	s0 =	sadd.s32 $0x8F2B, s0  }
0xcd: {  	[sflag:s0] =	ssyncadd.remote.s32 $0x1  }
0xce: {  	_ =	sfence.sel $0xFFFF  }
0xcf: {  	[dreg:$0x0] =	wrdreg $0xFFFFFFFF;
	(pc) =	sbr.abs _section_cstart, $3  }
0xd0: {  	[dreg:$0x1] =	wrdreg $0xFFFFFFFF  }
0xd1: {  	_ =	task.clear_ibuf [dreg:s22], $0x2FFFF;
	_ =	strace $0x9FFFFFFF  }
0xd2: {  	(tm) =	ssettm $0x7FFFFFFF  }
0xd3: {  	_ =	shalt  }
tec
execute0_lowered:
.L_overlay_start_1:
0x0: {  	(tag) =	ssettag $0x1  }
0x1: {  	s5 =	rddreg [dreg:$0x0]  }
0x2: {  	s6 =	rddreg [dreg:$0x1]  }
0x3: {  	s2 =	rddreg [dreg:$0x2]  }
0x4: {  	s0 =	rddreg [dreg:$0x3];
	s1 =	stileid.u32  }
0x5: {  	s3 =	simm.s32 $0x0;
	s7 =	srdreg.scid;
	s4 =	smul.u32 $0x4E200, s1  }
0x6: {  	[smem:$0x7FF] =	sst s3;
	s7 =	sand.u32 $0x1, s7;
	s11 =	smul.u32 $0x148, s1  }
0x7: {  	s16 =	sadd.s32 $0x2C400, s5;
	s10 =	sshll.u32 s1, $0xC;
	s12 =	smul.u32 $0x29000, s1  }
0x8: {  	_ =	strace $0x8000004A;
	s8 =	ssub.s32 $0x2, s7;
	s14 =	smul.u32 $0x1480, s7  }
0x9: {  	s7 =	sshll.u32 s7, $0x10;
	s6 =	sadd.s32 s6, s10;
	s17 =	sadd.s32 s4, s5  }
0xa: {  	s4 =	sadd.s32 $0x2E00, s5;
	s21 =	sshrl.u32 s8, $0x1;
	s22 =	sadd.s32 $0x140, s11  }
0xb: {  	s6 =	sadd.s32 s7, s6;
	s26 =	sshrl.u32 s12, $0x2;
	s15 =	sadd.s32 $0x50, s11  }
0xc: {  	s18 =	sadd.s32 $0xA0, s11;
	s19 =	sadd.s32 $0xF0, s11;
	s9 =	ssub.s32 s8, s21  }
0xd: {  	s23 =	sshll.u32 s22, $0x7;
	s24 =	sadd.s32 s14, s22;
	s8 =	sadd.s32 s26, s2  }
0xe: {  	s28 =	sshll.u32 s15, $0x7;
	s29 =	sshll.u32 s18, $0x7;
	s13 =	sshll.u32 s19, $0x7  }
0xf: {  	s20 =	sadd.s32 s14, s11;
	s15 =	sadd.s32 s14, s15;
	s18 =	sadd.s32 s14, s18  }
0x10: {  	s19 =	sadd.s32 s14, s19;
	s17 =	sadd.s32 $0x9C6E00, s17;
	s21 =	simm.s32 $0x0  }
0x11: {  	s5 =	sadd.s32 s23, s2;
	s25 =	sshll.u32 s24, $0x4;
	s9 =	smax.u32 s9, $0x1  }
0x12: {  	s10 =	sadd.s32 s28, s2;
	s11 =	sadd.s32 s29, s2;
	s12 =	sadd.s32 s13, s2  }
0x13: {  	s30 =	sshll.u32 s20, $0x4;
	s15 =	sshll.u32 s15, $0x4;
	s18 =	sshll.u32 s18, $0x4  }
0x14: {  	s31 =	sshll.u32 s19, $0x4;
	s19 =	simm.s32 $0x2800;
	s20 =	simm.s32 $0x50  }
0x15: {  	s7 =	sadd.s32 s16, s25;
	s13 =	sadd.s32 s16, s30;
	s14 =	sadd.s32 s16, s15  }
0x16: {  	s15 =	sadd.s32 s16, s18;
	s16 =	sadd.s32 s16, s31;
	s18 =	simm.s32 $0x1  }
.LBB2_1:
0x17: {  	[tilespmem:s3], [sflag:$0x1] =	stream.linear.gather [hbm4b:s4+s3], $0x2800, $0x38;
	[tilespmem:$0x14C00] =	vst v63  }
0x18: {  	_ =	swait.ge [sflag:s18], $0x2800  }
0x19: {  	[sflag:s18] =	ssyncset.done $0x0  }
0x1a: {  	[sflag:s18] =	ssyncadd.s32 $0xFFFFD800  }
0x1b: {  	[spmem:s8] =	stream.linear.scatter [tilespmem:s3], [sflag:$0x1], $0x2800, $0x38;
	[tilespmem:$0x14C00] =	vst v63  }
0x1c: {  	_ =	swait.ge [sflag:s18], $0x2800  }
0x1d: {  	[sflag:s18] =	ssyncset.done $0x0  }
0x1e: {  	[sflag:s18] =	ssyncadd.s32 $0xFFFFD800  }
0x1f: {  	[spmem:s10] =	stream.linear.scatter [tilespmem:s3], [sflag:$0x1], $0x2800, $0x38;
	[tilespmem:$0x14C00] =	vst v63  }
0x20: {  	_ =	swait.ge [sflag:s18], $0x2800  }
0x21: {  	[sflag:s18] =	ssyncset.done $0x0  }
0x22: {  	[sflag:s18] =	ssyncadd.s32 $0xFFFFD800  }
0x23: {  	[spmem:s11] =	stream.linear.scatter [tilespmem:s3], [sflag:$0x1], $0x2800, $0x38;
	[tilespmem:$0x14C00] =	vst v63  }
0x24: {  	_ =	swait.ge [sflag:s18], $0x2800  }
0x25: {  	[sflag:s18] =	ssyncset.done $0x0  }
0x26: {  	[sflag:s18] =	ssyncadd.s32 $0xFFFFD800  }
0x27: {  	[spmem:s12] =	stream.linear.scatter [tilespmem:s3], [sflag:$0x1], $0x2800, $0x38;
	[tilespmem:$0x14C00] =	vst v63  }
0x28: {  	_ =	swait.ge [sflag:s18], $0x2800  }
0x29: {  	[sflag:s18] =	ssyncset.done $0x0  }
0x2a: {  	[sflag:s18] =	ssyncadd.s32 $0xFFFFD800  }
0x2b: {  	[spmem:s5] =	stream.linear.scatter [tilespmem:s3], [sflag:$0x1], $0x400, $0x38;
	[tilespmem:$0x14C00] =	vst v63  }
0x2c: {  	_ =	swait.ge [sflag:s18], $0x400  }
0x2d: {  	[sflag:s18] =	ssyncset.done $0x0  }
0x2e: {  	[sflag:s18] =	ssyncadd.s32 $0xFFFFFC00  }
0x2f: {  	[tilespmem:s19], [sflag:$0x1] =	stream.linear.gather [hbm4b:s6+s3], $0x7D00, $0x38;
	[tilespmem:$0x14C00] =	vst v63  }
0x30: {  	_ =	swait.ge [sflag:s18], $0x7D00  }
0x31: {  	[sflag:s18] =	ssyncset.done $0x0  }
0x32: {  	[sflag:s18] =	ssyncadd.s32 $0xFFFF8300  }
0x33: {  	[bflag:$0x0] =	sbarrier.arrive $0xFFFF  }
0x34: {  	[tilespmem:s3], [sflag:$0x1] =	stream.linear.gather [hbm4b:s17+s3], $0x2800, $0x38;
	[tilespmem:$0x14C00] =	vst v63  }
0x35: {  	_ =	swait.ge [sflag:s18], $0x2800  }
0x36: {  	[sflag:s18] =	ssyncset.done $0x0  }
0x37: {  	s22 =	simm.s32 $0x2800;
	[sflag:s18] =	ssyncadd.s32 $0xFFFFD800  }
0x38: {  	[spmem:s2] =	stream.indirect.scatter.add.f32 [tilespmem:s3], [sflag:$0x1], $0x80, s22, s20, $0xb8;
	[tilespmem:$0x14C00] =	vst v63  }
0x39: {  	_ =	swait.ge [sflag:s18], $0x2800  }
0x3a: {  	s23 =	smov.u32 s17;
	s22 =	simm.s32 $0x200;
	[sflag:s18] =	ssyncset.done $0x0  }
.LBB2_2:
0x3b: {  	p0 =	sne.s32 s22, $0x1F200;
	[sflag:s18] =	ssyncadd.s32 $0xFFFFD800;
	s23 =	sadd.s32 $0x500, s23  }
0x3c: {  	[tilespmem:s3], [sflag:$0x1] =	stream.linear.gather [hbm4b:s23+s3], $0x2800, $0x38;
	[tilespmem:$0x14C00] =	vst v63  }
0x3d: {  	s24 =	smov.u32 s22;
	s22 =	sadd.s32 $0x200, s22;
	_ =	swait.ge [sflag:s18], $0x2800  }
.Ltmp0:
0x3e: {  	s24 =	sshra.s32 s24, $0x2;
	[sflag:s18] =	ssyncset.done $0x0;
	(pc) =	sbr.rel @p0 .LBB2_2-.Ltmp0, $4  }
0x3f: {  	s24 =	sadd.s32 $0x2800, s24;
	[sflag:s18] =	ssyncadd.s32 $0xFFFFD800  }
0x40: {  	[spmem:s2] =	stream.indirect.scatter.add.f32 [tilespmem:s3], [sflag:$0x1], $0x80, s24, s20, $0xb8;
	[tilespmem:$0x14C00] =	vst v63  }
0x41: {  	_ =	swait.ge [sflag:s18], $0x2800  }
0x42: {  	[sflag:s18] =	ssyncset.done $0x0  }
0x43: {  	[sflag:s18] =	ssyncadd.s32 $0xFFFFD800  }
0x44: {  	[bflag:$0x0] =	sbarrier.arrive $0xFFFF  }
0x45: {  	[tilespmem:s3], [sflag:$0x1] =	stream.linear.gather [spmem:s8], $0x2800, $0x38;
	[tilespmem:$0x14C00] =	vst v63  }
0x46: {  	_ =	swait.ge [sflag:s18], $0x2800  }
0x47: {  	[sflag:s18] =	ssyncset.done $0x0  }
0x48: {  	[sflag:s18] =	ssyncadd.s32 $0xFFFFD800  }
0x49: {  	[hbm4b:s13+s3] =	stream.linear.scatter [tilespmem:s3], [sflag:$0x1], $0x2800, $0x38;
	[tilespmem:$0x14C00] =	vst v63  }
0x4a: {  	_ =	swait.ge [sflag:s18], $0x2800  }
0x4b: {  	[sflag:s18] =	ssyncset.done $0x0  }
0x4c: {  	[sflag:s18] =	ssyncadd.s32 $0xFFFFD800  }
0x4d: {  	[tilespmem:s3], [sflag:$0x1] =	stream.linear.gather [spmem:s10], $0x2800, $0x38;
	[tilespmem:$0x14C00] =	vst v63  }
0x4e: {  	_ =	swait.ge [sflag:s18], $0x2800  }
0x4f: {  	[sflag:s18] =	ssyncset.done $0x0  }
0x50: {  	[sflag:s18] =	ssyncadd.s32 $0xFFFFD800  }
0x51: {  	[hbm4b:s14+s3] =	stream.linear.scatter [tilespmem:s3], [sflag:$0x1], $0x2800, $0x38;
	[tilespmem:$0x14C00] =	vst v63  }
0x52: {  	_ =	swait.ge [sflag:s18], $0x2800  }
0x53: {  	[sflag:s18] =	ssyncset.done $0x0  }
0x54: {  	[sflag:s18] =	ssyncadd.s32 $0xFFFFD800  }
0x55: {  	[tilespmem:s3], [sflag:$0x1] =	stream.linear.gather [spmem:s11], $0x2800, $0x38;
	[tilespmem:$0x14C00] =	vst v63  }
0x56: {  	_ =	swait.ge [sflag:s18], $0x2800  }
0x57: {  	[sflag:s18] =	ssyncset.done $0x0  }
0x58: {  	[sflag:s18] =	ssyncadd.s32 $0xFFFFD800  }
0x59: {  	[hbm4b:s15+s3] =	stream.linear.scatter [tilespmem:s3], [sflag:$0x1], $0x2800, $0x38;
	[tilespmem:$0x14C00] =	vst v63  }
0x5a: {  	_ =	swait.ge [sflag:s18], $0x2800  }
0x5b: {  	[sflag:s18] =	ssyncset.done $0x0  }
0x5c: {  	[sflag:s18] =	ssyncadd.s32 $0xFFFFD800  }
0x5d: {  	[tilespmem:s3], [sflag:$0x1] =	stream.linear.gather [spmem:s12], $0x2800, $0x38;
	[tilespmem:$0x14C00] =	vst v63  }
0x5e: {  	_ =	swait.ge [sflag:s18], $0x2800  }
0x5f: {  	[sflag:s18] =	ssyncset.done $0x0  }
0x60: {  	[sflag:s18] =	ssyncadd.s32 $0xFFFFD800  }
0x61: {  	[hbm4b:s16+s3] =	stream.linear.scatter [tilespmem:s3], [sflag:$0x1], $0x2800, $0x38;
	[tilespmem:$0x14C00] =	vst v63  }
0x62: {  	_ =	swait.ge [sflag:s18], $0x2800  }
0x63: {  	[sflag:s18] =	ssyncset.done $0x0  }
0x64: {  	[sflag:s18] =	ssyncadd.s32 $0xFFFFD800  }
0x65: {  	[tilespmem:s3], [sflag:$0x1] =	stream.linear.gather [spmem:s5], $0x400, $0x38;
	[tilespmem:$0x14C00] =	vst v63  }
0x66: {  	s21 =	sadd.s32 $0x1, s21;
	_ =	swait.ge [sflag:s18], $0x400  }
0x67: {  	p0 =	sne.s32 s21, s9;
	[sflag:s18] =	ssyncset.done $0x0  }
.Ltmp1:
0x68: {  	[sflag:s18] =	ssyncadd.s32 $0xFFFFFC00;
	(pc) =	sbr.rel @p0 .LBB2_1-.Ltmp1, $4  }
0x69: {  	[hbm4b:s7+s3] =	stream.linear.scatter [tilespmem:s3], [sflag:$0x1], $0x400, $0x38;
	[tilespmem:$0x14C00] =	vst v63  }
0x6a: {  	_ =	swait.ge [sflag:s18], $0x400  }
0x6b: {  	[sflag:s18] =	ssyncset.done $0x0  }
0x6c: {  	[sflag:s18] =	ssyncadd.s32 $0xFFFFFC00  }
0x6d: {  	_ =	sfence.sel $0x180000  }
0x6e: {  	[bflag:$0x0] =	sbarrier.arrive $0xFFFF  }
0x6f: {  	p0 =	sne.s32 s1, $0x0;
	_ =	strace $0x9000004A  }
0x70: {  	s0 =	sadd.s32 @!p0 $0x100000, s0;
	[bflag:$0x2] =	sbarrier.arrive $0xFFFF  }
0x71: {  	[sflag:s0] =	ssyncadd.tile.s32 @!p0 $0x1;
	_ =	shalt  }
.Lfunc_end2:
_tile_overlayer_lowered:
.L_overlay_start_2:
0x72: {  	(tag) =	ssettag $0x2  }
0x73: {  	s0 =	rddreg [dreg:$0x0];
	s2 =	stileid.u32  }
0x74: {  	s1 =	rddreg [dreg:$0x1];
	p0 =	sne.s32 s2, $0x0  }
0x75: {  	s3 =	rddreg [dreg:$0x2];
	[bflag:$0x3] =	sbarrier.arrive $0xFFFF;
	s2 =	simm.s32 @!p0 $0x1C01  }
0x76: {  	[timem:s3], [sflag:s2] =	dma.local @!p0 [hbm:s0], s1  }
0x77: {  	s0 =	simm.s32 @!p0 $0x1  }
0x78: {  	_ =	swait.ge @!p0 [sflag:s0], s1  }
0x79: {  	s1 =	ssub.s32 @!p0 $0x0, s1;
	[sflag:s0] =	ssyncset.done @!p0 $0x0  }
0x7a: {  	[sflag:s0] =	ssyncadd.s32 @!p0 s1  }
0x7b: {  	[bflag:$0x3] =	sbarrier.arrive $0xFFFF  }
0x7c: {  	_ =	shalt  }

</sc_bundles>
